<compile_context>
chip_gen: v7x
topology: tpu7x:2x2x1
jax: 0.10.2.dev20260603
libtpu: 0.0.44.dev20260713+nightly
codegen_flags: <defaults>
</compile_context>

<pallas_src>
import functools

import jax
import jax.numpy as jnp
from jax import lax
from jax.experimental import pallas as pl
from jax.experimental.pallas import tpu as pltpu
from jax.experimental.pallas import tpu_sc as plsc

_B, _C, _H, _W = 1, 96, 64, 64
_NH, _K, _T = 4, 9, 7
_HD = _C // _NH
_TK = _T * _K
_NP = _H * _W
_MAX_OFFSET = 32.0

_TILE = 512
_NT = _NP // _TILE
_BLK = 256
_NBLK = _NP // _BLK
_ROWS = _NH * _TK


def _gelu(x):
    return 0.5 * x * (1.0 + lax.erf(x * 0.7071067811865476))


def _stage_a(x9_ref, ctx_ref, wo1_ref, bo1_ref, wox_ref, box_ref, woy_ref,
             boy_ref, wa1_ref, ba1_ref, wa2_ref, ba2_ref, vw_ref, vb_ref,
             vt_ref, w00_ref, w01_ref, w10_ref, w11_ref,
             i00_ref, i01_ref, i10_ref, i11_ref):
    f32 = jnp.float32
    i = pl.program_id(0)
    x9 = x9_ref[...]

    t1 = _gelu(jnp.dot(wo1_ref[...], x9, preferred_element_type=f32)
               + bo1_ref[...])
    offx = jnp.tanh(jnp.dot(wox_ref[...], t1, preferred_element_type=f32)
                    + box_ref[...]) * _MAX_OFFSET
    offy = jnp.tanh(jnp.dot(woy_ref[...], t1, preferred_element_type=f32)
                    + boy_ref[...]) * _MAX_OFFSET

    a1 = _gelu(jnp.dot(wa1_ref[...], x9, preferred_element_type=f32)
               + ba1_ref[...])
    al = jnp.dot(wa2_ref[...], a1, preferred_element_type=f32) + ba2_ref[...]
    aw_parts = []
    for h in range(_NH):
        alh = al[h * _TK:(h + 1) * _TK, :]
        m = jnp.max(alh, axis=0, keepdims=True)
        e = jnp.exp(alh - m)
        aw_parts.append(e / jnp.sum(e, axis=0, keepdims=True))
    aw = jnp.concatenate(aw_parts, axis=0)

    for t in range(_T):
        vt_ref[t] = (jnp.dot(vw_ref[...], ctx_ref[t],
                             preferred_element_type=f32) + vb_ref[...])

    ii = lax.broadcasted_iota(jnp.int32, (1, _TILE), 1)
    gxf = (ii & (_W - 1)).astype(f32)
    gyf = ((ii >> 6) + i * (_TILE // _W)).astype(f32)

    sgx = ((gxf + offx) / (_W - 1)) * 2.0 - 1.0
    sgy = ((gyf + offy) / (_H - 1)) * 2.0 - 1.0
    gxr = (sgx + 1.0) * 0.5 * (_W - 1)
    gyr = (sgy + 1.0) * 0.5 * (_H - 1)

    x0 = jnp.floor(gxr)
    y0 = jnp.floor(gyr)
    wx1 = gxr - x0
    wx0 = 1.0 - wx1
    wy1 = gyr - y0
    wy0 = 1.0 - wy1
    x1 = x0 + 1.0
    y1 = y0 + 1.0

    def corner(xf, yf, wgt):
        valid = ((xf >= 0.0) & (xf <= _W - 1.0)
                 & (yf >= 0.0) & (yf <= _H - 1.0)).astype(f32)
        xi = jnp.clip(xf, 0.0, _W - 1.0).astype(jnp.int32)
        yi = jnp.clip(yf, 0.0, _H - 1.0).astype(jnp.int32)
        return aw * wgt * valid, yi * _W + xi

    w00_ref[...], i00_ref[...] = corner(x0, y0, wy0 * wx0)
    w01_ref[...], i01_ref[...] = corner(x1, y0, wy0 * wx1)
    w10_ref[...], i10_ref[...] = corner(x0, y1, wy1 * wx0)
    w11_ref[...], i11_ref[...] = corner(x1, y1, wy1 * wx1)


def _stage_b(w00, w01, w10, w11, i00, i01, i10, i11, tab, out,
             tab_v, w_v, idx_v, acc_v):
    f32 = jnp.float32
    wid = lax.axis_index("s") * 2 + lax.axis_index("c")
    h = wid // _T
    t = wid - h * _T

    @pl.when(wid < _NH * _T)
    def _():
        pltpu.sync_copy(tab.at[t, pl.ds(h * _HD, _HD), :], tab_v)
        row0 = h * _TK + t * _K

        def blk_body(b, carry):
            col = b * _BLK
            for ci, (wr, ir) in enumerate(((w00, i00), (w01, i01),
                                           (w10, i10), (w11, i11))):
                pltpu.sync_copy(wr.at[pl.ds(row0, _K), pl.ds(col, _BLK)],
                                w_v.at[pl.ds(ci * _K, _K), :])
                pltpu.sync_copy(ir.at[pl.ds(row0, _K), pl.ds(col, _BLK)],
                                idx_v.at[pl.ds(ci * _K, _K), :])

            zvec = jnp.zeros((16,), f32)

            def zero_body(z, cz):
                acc_v[z >> 4, pl.ds((z & 15) * 16, 16)] = zvec
                return cz

            lax.fori_loop(0, _HD * _BLK // 16, zero_body, 0)

            def pg_body(pg, c2):
                base = pg * 16

                def j_body(j, cj):
                    idxv = idx_v[j, pl.ds(base, 16)]
                    wv = w_v[j, pl.ds(base, 16)]

                    def c_body(c, cc):
                        cvec = jnp.full((16,), 0, jnp.int32) + c
                        g = plsc.load_gather(tab_v, [cvec, idxv])
                        plsc.addupdate(acc_v.at[c, pl.ds(base, 16)], wv * g)
                        return cc

                    lax.fori_loop(0, _HD, c_body, 0, unroll=8)
                    return cj

                lax.fori_loop(0, 4 * _K, j_body, 0)
                return c2

            lax.fori_loop(0, _BLK // 16, pg_body, 0)
            pltpu.sync_copy(acc_v, out.at[t, h, :, pl.ds(col, _BLK)])
            return carry

        lax.fori_loop(0, _NBLK, blk_body, 0, unroll=False)


def _stage_c(part_ref, q_ref, wout_ref, bout_ref, out_ref):
    s = part_ref[0]
    for t in range(1, _T):
        s = s + part_ref[t]
    out_ref[...] = (jnp.dot(wout_ref[...], s, preferred_element_type=jnp.float32)
                    + bout_ref[...] + q_ref[...])


def _full(shape):
    return pl.BlockSpec(shape, lambda i: tuple(0 for _ in shape))


def kernel(query_feat, context_feats, offset_w1, offset_b1, offset_w2,
           offset_b2, attn_w1, attn_b1, attn_w2, attn_b2, v_w, v_b,
           out_w, out_b):
    f32 = jnp.float32
    i32 = jnp.int32

    q2 = query_feat.reshape(_C, _H, _W)
    qp = jnp.pad(q2, ((0, 0), (1, 1), (1, 1)))
    shifts = [qp[:, dy:dy + _H, dx:dx + _W].reshape(_C, _NP)
              for dy in range(3) for dx in range(3)]
    x9 = jnp.concatenate(shifts, axis=0)

    wo1 = jnp.transpose(offset_w1, (0, 2, 3, 1)).reshape(_C, 9 * _C)
    wa1 = jnp.transpose(attn_w1, (0, 2, 3, 1)).reshape(_C, 9 * _C)
    w2r = offset_w2.reshape(_NH, _T, _K, 2, _C)
    wox = w2r[:, :, :, 0, :].reshape(_ROWS, _C)
    woy = w2r[:, :, :, 1, :].reshape(_ROWS, _C)
    b2r = offset_b2.reshape(_NH, _T, _K, 2)
    box = b2r[..., 0].reshape(_ROWS, 1)
    boy = b2r[..., 1].reshape(_ROWS, 1)
    wa2 = attn_w2.reshape(_ROWS, _C)
    ba2 = attn_b2.reshape(_ROWS, 1)
    bo1 = offset_b1.reshape(_C, 1)
    ba1 = attn_b1.reshape(_C, 1)
    vw2 = v_w.reshape(_C, _C)
    vb2 = v_b.reshape(_C, 1)
    ctx = context_feats.reshape(_T, _C, _NP)

    plane_f = jax.ShapeDtypeStruct((_ROWS, _NP), f32)
    plane_i = jax.ShapeDtypeStruct((_ROWS, _NP), i32)
    a_out = pl.pallas_call(
        _stage_a,
        grid=(_NT,),
        in_specs=[
            pl.BlockSpec((9 * _C, _TILE), lambda i: (0, i)),
            pl.BlockSpec((_T, _C, _TILE), lambda i: (0, 0, i)),
            _full((_C, 9 * _C)), _full((_C, 1)),
            _full((_ROWS, _C)), _full((_ROWS, 1)),
            _full((_ROWS, _C)), _full((_ROWS, 1)),
            _full((_C, 9 * _C)), _full((_C, 1)),
            _full((_ROWS, _C)), _full((_ROWS, 1)),
            _full((_C, _C)), _full((_C, 1)),
        ],
        out_specs=[
            pl.BlockSpec((_T, _C, _TILE), lambda i: (0, 0, i)),
        ] + [pl.BlockSpec((_ROWS, _TILE), lambda i: (0, i))] * 8,
        out_shape=[jax.ShapeDtypeStruct((_T, _C, _NP), f32)]
        + [plane_f] * 4 + [plane_i] * 4,
    )(x9, ctx, wo1, bo1, wox, box, woy, boy, wa1, ba1, wa2, ba2, vw2, vb2)
    vt, w00, w01, w10, w11, idx00, idx01, idx10, idx11 = a_out

    sc_call = pl.kernel(
        _stage_b,
        mesh=plsc.VectorSubcoreMesh(core_axis_name="c", subcore_axis_name="s"),
        compiler_params=pltpu.CompilerParams(use_tc_tiling_on_sc=False,
                                             needs_layout_passes=False),
        out_type=jax.ShapeDtypeStruct((_T, _NH, _HD, _NP), f32),
        scratch_types=[
            pltpu.VMEM((_HD, _NP), f32),
            pltpu.VMEM((4 * _K, _BLK), f32),
            pltpu.VMEM((4 * _K, _BLK), i32),
            pltpu.VMEM((_HD, _BLK), f32),
        ],
    )
    part = sc_call(w00, w01, w10, w11, idx00, idx01, idx10, idx11, vt)

    part3 = part.reshape(_T, _C, _NP)
    q = query_feat.reshape(_C, _NP)
    yc = pl.pallas_call(
        _stage_c,
        grid=(_NT,),
        in_specs=[
            pl.BlockSpec((_T, _C, _TILE), lambda i: (0, 0, i)),
            pl.BlockSpec((_C, _TILE), lambda i: (0, i)),
            _full((_C, _C)), _full((_C, 1)),
        ],
        out_specs=pl.BlockSpec((_C, _TILE), lambda i: (0, i)),
        out_shape=jax.ShapeDtypeStruct((_C, _NP), f32),
    )(part3, q, out_w.reshape(_C, _C), out_b.reshape(_C, 1))

    return yc.reshape(_B, _C, _H, _W)

# --- scband reference (transcript-rebuilt; emitter-appended) ---
"""Pipeline reference for scband-deformable-cross-temporal-attention-3186865733843 (READ-ONLY COPY).

The authoritative reference and input builder live on the scoring server;
editing this copy changes nothing except your own understanding.
"""

import jax, jax.numpy as jnp
import numpy as np

B, C, H, W = 1, 96, 64, 64
NH, K, T = 4, 9, 7
HD = C // NH
MAX_OFFSET = 32.0

def conv2d(x, w, b, pad):
    y = jax.lax.conv_general_dilated(x, w, (1, 1), ((pad, pad), (pad, pad)), dimension_numbers=('NCHW', 'OIHW', 'NCHW'))
    return y + b[None, :, None, None]

def gelu(x):
    return jax.nn.gelu(x, approximate=False)

def grid_sample_bilinear(img, grid):
    N, Ci, Hh, Ww = img.shape
    gx = (grid[..., 0] + 1.0) * 0.5 * (Ww - 1)
    gy = (grid[..., 1] + 1.0) * 0.5 * (Hh - 1)
    x0 = jnp.floor(gx)
    y0 = jnp.floor(gy)
    x1 = x0 + 1.0
    y1 = y0 + 1.0
    wx1 = gx - x0
    wx0 = 1.0 - wx1
    wy1 = gy - y0
    wy0 = 1.0 - wy1
    flat = img.reshape(N, Ci, Hh * Ww)
    def gather(ix, iy):
        valid = ((ix >= 0) & (ix <= Ww - 1) & (iy >= 0) & (iy <= Hh - 1)).astype(img.dtype)
        ixc = jnp.clip(ix, 0, Ww - 1).astype(jnp.int32)
        iyc = jnp.clip(iy, 0, Hh - 1).astype(jnp.int32)
        idx = (iyc * Ww + ixc).reshape(N, -1)
        g = jax.vmap(lambda im, ii: im[:, ii])(flat, idx)
        return g * valid.reshape(N, 1, -1)
    g00 = gather(x0, y0)
    g01 = gather(x1, y0)
    g10 = gather(x0, y1)
    g11 = gather(x1, y1)
    w00 = (wy0 * wx0).reshape(N, 1, -1)
    w01 = (wy0 * wx1).reshape(N, 1, -1)
    w10 = (wy1 * wx0).reshape(N, 1, -1)
    w11 = (wy1 * wx1).reshape(N, 1, -1)
    out = g00 * w00 + g01 * w01 + g10 * w10 + g11 * w11
    return out.reshape(N, Ci, grid.shape[1], grid.shape[2])

def _forward(query_feat, context_feats, offset_w1, offset_b1, offset_w2, offset_b2, attn_w1, attn_b1, attn_w2, attn_b2, v_w, v_b, out_w, out_b):
    Bq, Cq, Hq, Wq = query_feat.shape
    off = conv2d(query_feat, offset_w1, offset_b1, 1)
    off = gelu(off)
    off = conv2d(off, offset_w2, offset_b2, 0)
    off = jnp.tanh(off) * MAX_OFFSET
    off = off.reshape(Bq, NH, T, K, 2, Hq, Wq)
    al = conv2d(query_feat, attn_w1, attn_b1, 1)
    al = gelu(al)
    al = conv2d(al, attn_w2, attn_b2, 0)
    al = al.reshape(Bq, NH, T * K, Hq, Wq)
    aw = jax.nn.softmax(al, axis=2)
    gy, gx = jnp.meshgrid(jnp.arange(Hq, dtype=jnp.float32), jnp.arange(Wq, dtype=jnp.float32), indexing='ij')
    sampled_frames = []
    for t in range(T):
        ot = off[:, :, t].reshape(Bq, NH * K, 2, Hq, Wq)
        sx = gx[None, None] + ot[:, :, 0]
        sy = gy[None, None] + ot[:, :, 1]
        sx = sx / (Wq - 1) * 2.0 - 1.0
        sy = sy / (Hq - 1) * 2.0 - 1.0
        grid_all = jnp.stack([sx, sy], axis=-1).reshape(Bq * NH * K, Hq, Wq, 2)
        v = conv2d(context_feats[t], v_w, v_b, 0).reshape(Bq, NH, HD, Hq, Wq)
        ve = jnp.broadcast_to(v[:, :, None], (Bq, NH, K, HD, Hq, Wq)).reshape(Bq * NH * K, HD, Hq, Wq)
        s = grid_sample_bilinear(ve, grid_all).reshape(Bq, NH, K, HD, Hq, Wq)
        sampled_frames.append(s)
    sampled = jnp.stack(sampled_frames, axis=2).reshape(Bq, NH, T * K, HD, Hq, Wq)
    out = (sampled * aw[:, :, :, None]).sum(axis=2).reshape(Bq, Cq, Hq, Wq)
    out = conv2d(out, out_w, out_b, 0)
    return query_feat + out

def setup_inputs(seed: int = 0):
    key = jax.random.key(seed)
    ks = jax.random.split(key, 16)
    s = 0.05
    return {
        'query_feat': jax.random.normal(ks[0], (B, C, H, W), jnp.float32),
        'context_feats': jax.random.normal(ks[1], (T, B, C, H, W), jnp.float32),
        'offset_w1': jax.random.normal(ks[2], (C, C, 3, 3), jnp.float32) * s,
        'offset_b1': jnp.zeros((C,), jnp.float32),
        'offset_w2': jax.random.normal(ks[3], (NH * K * 2 * T, C, 1, 1), jnp.float32) * s,
        'offset_b2': jnp.zeros((NH * K * 2 * T,), jnp.float32),
        'attn_w1': jax.random.normal(ks[4], (C, C, 3, 3), jnp.float32) * s,
        'attn_b1': jnp.zeros((C,), jnp.float32),
        'attn_w2': jax.random.normal(ks[5], (NH * K * T, C, 1, 1), jnp.float32) * s,
        'attn_b2': jnp.zeros((NH * K * T,), jnp.float32),
        'v_w': jax.random.normal(ks[6], (C, C, 1, 1), jnp.float32) * s,
        'v_b': jnp.zeros((C,), jnp.float32),
        'out_w': jax.random.normal(ks[7], (C, C, 1, 1), jnp.float32) * s,
        'out_b': jnp.zeros((C,), jnp.float32),
    }

def reference(query_feat, context_feats, offset_w1, offset_b1, offset_w2, offset_b2, attn_w1, attn_b1, attn_w2, attn_b2, v_w, v_b, out_w, out_b):
    return _forward(query_feat, context_feats, offset_w1, offset_b1, offset_w2, offset_b2, attn_w1, attn_b1, attn_w2, attn_b2, v_w, v_b, out_w, out_b)

if __name__ == "__main__":
    import jax
    _d = setup_inputs()
    print(jax.jit(kernel)(*tuple(_d.values())))

</pallas_src>

<mosaic_0001>
#map = affine_map<(d0, d1) -> (0, 0)>
#map1 = affine_map<(d0, d1) -> (0, 0, 0)>
#map2 = affine_map<(d0, d1) -> (0, 0, 0, 0)>
module attributes {stable_mosaic.version = 14 : i64} {
  func.func @_stage_b(%arg0: i32, %arg1: i32, %arg2: memref<252x4096xf32, #tpu.memory_space<hbm>>, %arg3: memref<252x4096xf32, #tpu.memory_space<hbm>>, %arg4: memref<252x4096xf32, #tpu.memory_space<hbm>>, %arg5: memref<252x4096xf32, #tpu.memory_space<hbm>>, %arg6: memref<252x4096xi32, #tpu.memory_space<hbm>>, %arg7: memref<252x4096xi32, #tpu.memory_space<hbm>>, %arg8: memref<252x4096xi32, #tpu.memory_space<hbm>>, %arg9: memref<252x4096xi32, #tpu.memory_space<hbm>>, %arg10: memref<7x96x4096xf32, #tpu.memory_space<hbm>>, %arg11: memref<7x4x24x4096xf32, #tpu.memory_space<hbm>>, %arg12: memref<24x4096xf32, #tpu.memory_space<vmem>>, %arg13: memref<36x256xf32, #tpu.memory_space<vmem>>, %arg14: memref<36x256xi32, #tpu.memory_space<vmem>>, %arg15: memref<24x256xf32, #tpu.memory_space<vmem>>) attributes {dimension_semantics = [#tpu.dimension_semantics<core_parallel>, #tpu.dimension_semantics<subcore_parallel>], iteration_bounds = array<i64: 2, 16>, scalar_prefetch = 0 : i64, scratch_operands = 4 : i64, tpu.core_type = #tpu.core_type<sc_vector_subcore>, window_params = [{transform_indices = #map}, {transform_indices = #map}, {transform_indices = #map}, {transform_indices = #map}, {transform_indices = #map}, {transform_indices = #map}, {transform_indices = #map}, {transform_indices = #map}, {transform_indices = #map1}, {transform_indices = #map2}]} {
    %mul3A = arith.constant 2 : i32
    %mul3A_0 = arith.muli %arg1, %mul3A : i32
    %add3A = arith.addi %mul3A_0, %arg0 : i32
    %jit3A = arith.constant 7 : i32
    %div3A = arith.divsi %add3A, %jit3A : i32
    %sign3A = arith.constant 0 : i32
    %sign3A_1 = arith.cmpi sgt, %add3A, %sign3A : i32
    %sign3A_2 = arith.extui %sign3A_1 : i1 to i32
    %sign3A_3 = arith.constant 0 : i32
    %sign3A_4 = arith.cmpi slt, %add3A, %sign3A_3 : i32
    %sign3A_5 = arith.extui %sign3A_4 : i1 to i32
    %sign3A_6 = arith.subi %sign3A_2, %sign3A_5 : i32
    %sign3A_7 = arith.constant 0 : i32
    %sign3A_8 = arith.cmpi sgt, %jit3A, %sign3A_7 : i32
    %sign3A_9 = arith.extui %sign3A_8 : i1 to i32
    %sign3A_10 = arith.constant 0 : i32
    %sign3A_11 = arith.cmpi slt, %jit3A, %sign3A_10 : i32
    %sign3A_12 = arith.extui %sign3A_11 : i1 to i32
    %sign3A_13 = arith.subi %sign3A_9, %sign3A_12 : i32
    %ne3A = arith.cmpi ne, %sign3A_6, %sign3A_13 : i32
    %rem3A = arith.remsi %add3A, %jit3A : i32
    %ne3A_14 = arith.constant 0 : i32
    %ne3A_15 = arith.cmpi ne, %rem3A, %ne3A_14 : i32
    %and3A = arith.andi %ne3A, %ne3A_15 : i1
    %sub3A = arith.constant 1 : i32
    %sub3A_16 = arith.subi %div3A, %sub3A : i32
    %select_n3A = arith.select %and3A, %sub3A_16, %div3A : i32
    %mul3A_17 = arith.constant 7 : i32
    %mul3A_18 = arith.muli %select_n3A, %mul3A_17 : i32
    %sub3A_19 = arith.subi %add3A, %mul3A_18 : i32
    %lt3A = arith.constant 28 : i32
    %lt3A_20 = arith.cmpi slt, %add3A, %lt3A : i32
    %convert_element_type3A = arith.extui %lt3A_20 : i1 to i32
    %cond3A = arith.constant 0 : i32
    %cond3A_21 = arith.cmpi ne, %convert_element_type3A, %cond3A : i32
    scf.if %cond3A_21 {
      %mul3A_22 = arith.constant 24 : i32
      %mul3A_23 = arith.muli %select_n3A, %mul3A_22 : i32
      "tpu.region"() ({
        %run_scoped3A = tpu.sem_alloc : memref<!tpu.dma_semaphore, #tpu.memory_space<semaphore_mem>>
        %dma_start3A = arith.constant 0 : i32
        %dma_start3A_34 = tpu.memref_slice %arg10[%sub3A_19, %mul3A_23, %dma_start3A] : memref<7x96x4096xf32, #tpu.memory_space<hbm>> -> memref<1x24x4096xf32, #tpu.memory_space<hbm>>
        %dma_start3A_35 = tpu.memref_squeeze %dma_start3A_34 : memref<1x24x4096xf32, #tpu.memory_space<hbm>> -> memref<24x4096xf32, #tpu.memory_space<hbm>>
        %dma_start3A_36 = arith.constant 0 : i32
        %dma_start3A_37 = tpu.memref_slice %arg10[%sub3A_19, %mul3A_23, %dma_start3A_36] : memref<7x96x4096xf32, #tpu.memory_space<hbm>> -> memref<1x24x4096xf32, #tpu.memory_space<hbm>>
        %dma_start3A_38 = tpu.memref_squeeze %dma_start3A_37 : memref<1x24x4096xf32, #tpu.memory_space<hbm>> -> memref<24x4096xf32, #tpu.memory_space<hbm>>
        tpu.enqueue_dma source(%dma_start3A_38 : memref<24x4096xf32, #tpu.memory_space<hbm>>) target(%arg12 : memref<24x4096xf32, #tpu.memory_space<vmem>>) target_semaphore(%run_scoped3A : memref<!tpu.dma_semaphore, #tpu.memory_space<semaphore_mem>>)
        %dma_wait3A = arith.constant 0 : i32
        %dma_wait3A_39 = tpu.memref_slice %arg10[%sub3A_19, %mul3A_23, %dma_wait3A] : memref<7x96x4096xf32, #tpu.memory_space<hbm>> -> memref<1x24x4096xf32, #tpu.memory_space<hbm>>
        %dma_wait3A_40 = tpu.memref_squeeze %dma_wait3A_39 : memref<1x24x4096xf32, #tpu.memory_space<hbm>> -> memref<24x4096xf32, #tpu.memory_space<hbm>>
        %dma_wait3A_41 = arith.constant 0 : i32
        %dma_wait3A_42 = tpu.memref_slice %arg10[%sub3A_19, %mul3A_23, %dma_wait3A_41] : memref<7x96x4096xf32, #tpu.memory_space<hbm>> -> memref<1x24x4096xf32, #tpu.memory_space<hbm>>
        %dma_wait3A_43 = tpu.memref_squeeze %dma_wait3A_42 : memref<1x24x4096xf32, #tpu.memory_space<hbm>> -> memref<24x4096xf32, #tpu.memory_space<hbm>>
        tpu.wait_dma2 semaphore(%run_scoped3A : memref<!tpu.dma_semaphore, #tpu.memory_space<semaphore_mem>>) src(%dma_wait3A_43 : memref<24x4096xf32, #tpu.memory_space<hbm>>) dst(%arg12 : memref<24x4096xf32, #tpu.memory_space<vmem>>)
        tpu.yield
      }) : () -> ()
      %mul3A_24 = arith.constant 63 : i32
      %mul3A_25 = arith.muli %select_n3A, %mul3A_24 : i32
      %mul3A_26 = arith.constant 9 : i32
      %mul3A_27 = arith.muli %sub3A_19, %mul3A_26 : i32
      %add3A_28 = arith.addi %mul3A_25, %mul3A_27 : i32
      %scan3A = arith.constant 0 : i32
      %scan3A_29 = arith.constant 0 : i32
      %scan3A_30 = arith.constant 16 : i32
      %scan3A_31 = arith.addi %scan3A_29, %scan3A_30 : i32
      %scan3A_32 = arith.constant 1 : i32
      scf.for %scan3A_34 = %scan3A_29 to %scan3A_31 step %scan3A_32  : i32 {
        %mul3A_35 = arith.constant 256 : i32
        %mul3A_36 = arith.muli %scan3A_34, %mul3A_35 : i32
        "tpu.region"() ({
          %run_scoped3A = tpu.sem_alloc : memref<!tpu.dma_semaphore, #tpu.memory_space<semaphore_mem>>
          %dma_start3A = arith.constant 0 : i32
          %dma_start3A_50 = arith.constant 0 : i32
          %dma_start3A_51 = tpu.memref_slice %arg13[%dma_start3A, %dma_start3A_50] : memref<36x256xf32, #tpu.memory_space<vmem>> -> memref<9x256xf32, #tpu.memory_space<vmem>>
          %dma_start3A_52 = tpu.memref_slice %arg2[%add3A_28, %mul3A_36] : memref<252x4096xf32, #tpu.memory_space<hbm>> -> memref<9x256xf32, #tpu.memory_space<hbm>>
          %dma_start3A_53 = arith.constant 0 : i32
          %dma_start3A_54 = arith.constant 0 : i32
          %dma_start3A_55 = tpu.memref_slice %arg13[%dma_start3A_53, %dma_start3A_54] : memref<36x256xf32, #tpu.memory_space<vmem>> -> memref<9x256xf32, #tpu.memory_space<vmem>>
          %dma_start3A_56 = tpu.memref_slice %arg2[%add3A_28, %mul3A_36] : memref<252x4096xf32, #tpu.memory_space<hbm>> -> memref<9x256xf32, #tpu.memory_space<hbm>>
          tpu.enqueue_dma source(%dma_start3A_56 : memref<9x256xf32, #tpu.memory_space<hbm>>) target(%dma_start3A_55 : memref<9x256xf32, #tpu.memory_space<vmem>>) target_semaphore(%run_scoped3A : memref<!tpu.dma_semaphore, #tpu.memory_space<semaphore_mem>>)
          %dma_wait3A = arith.constant 0 : i32
          %dma_wait3A_57 = arith.constant 0 : i32
          %dma_wait3A_58 = tpu.memref_slice %arg13[%dma_wait3A, %dma_wait3A_57] : memref<36x256xf32, #tpu.memory_space<vmem>> -> memref<9x256xf32, #tpu.memory_space<vmem>>
          %dma_wait3A_59 = tpu.memref_slice %arg2[%add3A_28, %mul3A_36] : memref<252x4096xf32, #tpu.memory_space<hbm>> -> memref<9x256xf32, #tpu.memory_space<hbm>>
          %dma_wait3A_60 = arith.constant 0 : i32
          %dma_wait3A_61 = arith.constant 0 : i32
          %dma_wait3A_62 = tpu.memref_slice %arg13[%dma_wait3A_60, %dma_wait3A_61] : memref<36x256xf32, #tpu.memory_space<vmem>> -> memref<9x256xf32, #tpu.memory_space<vmem>>
          %dma_wait3A_63 = tpu.memref_slice %arg2[%add3A_28, %mul3A_36] : memref<252x4096xf32, #tpu.memory_space<hbm>> -> memref<9x256xf32, #tpu.memory_space<hbm>>
          tpu.wait_dma2 semaphore(%run_scoped3A : memref<!tpu.dma_semaphore, #tpu.memory_space<semaphore_mem>>) src(%dma_wait3A_63 : memref<9x256xf32, #tpu.memory_space<hbm>>) dst(%dma_wait3A_62 : memref<9x256xf32, #tpu.memory_space<vmem>>)
          tpu.yield
        }) : () -> ()
        "tpu.region"() ({
          %run_scoped3A = tpu.sem_alloc : memref<!tpu.dma_semaphore, #tpu.memory_space<semaphore_mem>>
          %dma_start3A = arith.constant 0 : i32
          %dma_start3A_50 = arith.constant 0 : i32
          %dma_start3A_51 = tpu.memref_slice %arg14[%dma_start3A, %dma_start3A_50] : memref<36x256xi32, #tpu.memory_space<vmem>> -> memref<9x256xi32, #tpu.memory_space<vmem>>
          %dma_start3A_52 = tpu.memref_slice %arg6[%add3A_28, %mul3A_36] : memref<252x4096xi32, #tpu.memory_space<hbm>> -> memref<9x256xi32, #tpu.memory_space<hbm>>
          %dma_start3A_53 = arith.constant 0 : i32
          %dma_start3A_54 = arith.constant 0 : i32
          %dma_start3A_55 = tpu.memref_slice %arg14[%dma_start3A_53, %dma_start3A_54] : memref<36x256xi32, #tpu.memory_space<vmem>> -> memref<9x256xi32, #tpu.memory_space<vmem>>
          %dma_start3A_56 = tpu.memref_slice %arg6[%add3A_28, %mul3A_36] : memref<252x4096xi32, #tpu.memory_space<hbm>> -> memref<9x256xi32, #tpu.memory_space<hbm>>
          tpu.enqueue_dma source(%dma_start3A_56 : memref<9x256xi32, #tpu.memory_space<hbm>>) target(%dma_start3A_55 : memref<9x256xi32, #tpu.memory_space<vmem>>) target_semaphore(%run_scoped3A : memref<!tpu.dma_semaphore, #tpu.memory_space<semaphore_mem>>)
          %dma_wait3A = arith.constant 0 : i32
          %dma_wait3A_57 = arith.constant 0 : i32
          %dma_wait3A_58 = tpu.memref_slice %arg14[%dma_wait3A, %dma_wait3A_57] : memref<36x256xi32, #tpu.memory_space<vmem>> -> memref<9x256xi32, #tpu.memory_space<vmem>>
          %dma_wait3A_59 = tpu.memref_slice %arg6[%add3A_28, %mul3A_36] : memref<252x4096xi32, #tpu.memory_space<hbm>> -> memref<9x256xi32, #tpu.memory_space<hbm>>
          %dma_wait3A_60 = arith.constant 0 : i32
          %dma_wait3A_61 = arith.constant 0 : i32
          %dma_wait3A_62 = tpu.memref_slice %arg14[%dma_wait3A_60, %dma_wait3A_61] : memref<36x256xi32, #tpu.memory_space<vmem>> -> memref<9x256xi32, #tpu.memory_space<vmem>>
          %dma_wait3A_63 = tpu.memref_slice %arg6[%add3A_28, %mul3A_36] : memref<252x4096xi32, #tpu.memory_space<hbm>> -> memref<9x256xi32, #tpu.memory_space<hbm>>
          tpu.wait_dma2 semaphore(%run_scoped3A : memref<!tpu.dma_semaphore, #tpu.memory_space<semaphore_mem>>) src(%dma_wait3A_63 : memref<9x256xi32, #tpu.memory_space<hbm>>) dst(%dma_wait3A_62 : memref<9x256xi32, #tpu.memory_space<vmem>>)
          tpu.yield
        }) : () -> ()
        "tpu.region"() ({
          %run_scoped3A = tpu.sem_alloc : memref<!tpu.dma_semaphore, #tpu.memory_space<semaphore_mem>>
          %dma_start3A = arith.constant 9 : i32
          %dma_start3A_50 = arith.constant 0 : i32
          %dma_start3A_51 = tpu.memref_slice %arg13[%dma_start3A, %dma_start3A_50] : memref<36x256xf32, #tpu.memory_space<vmem>> -> memref<9x256xf32, #tpu.memory_space<vmem>>
          %dma_start3A_52 = tpu.memref_slice %arg3[%add3A_28, %mul3A_36] : memref<252x4096xf32, #tpu.memory_space<hbm>> -> memref<9x256xf32, #tpu.memory_space<hbm>>
          %dma_start3A_53 = arith.constant 9 : i32
          %dma_start3A_54 = arith.constant 0 : i32
          %dma_start3A_55 = tpu.memref_slice %arg13[%dma_start3A_53, %dma_start3A_54] : memref<36x256xf32, #tpu.memory_space<vmem>> -> memref<9x256xf32, #tpu.memory_space<vmem>>
          %dma_start3A_56 = tpu.memref_slice %arg3[%add3A_28, %mul3A_36] : memref<252x4096xf32, #tpu.memory_space<hbm>> -> memref<9x256xf32, #tpu.memory_space<hbm>>
          tpu.enqueue_dma source(%dma_start3A_56 : memref<9x256xf32, #tpu.memory_space<hbm>>) target(%dma_start3A_55 : memref<9x256xf32, #tpu.memory_space<vmem>>) target_semaphore(%run_scoped3A : memref<!tpu.dma_semaphore, #tpu.memory_space<semaphore_mem>>)
          %dma_wait3A = arith.constant 9 : i32
          %dma_wait3A_57 = arith.constant 0 : i32
          %dma_wait3A_58 = tpu.memref_slice %arg13[%dma_wait3A, %dma_wait3A_57] : memref<36x256xf32, #tpu.memory_space<vmem>> -> memref<9x256xf32, #tpu.memory_space<vmem>>
          %dma_wait3A_59 = tpu.memref_slice %arg3[%add3A_28, %mul3A_36] : memref<252x4096xf32, #tpu.memory_space<hbm>> -> memref<9x256xf32, #tpu.memory_space<hbm>>
          %dma_wait3A_60 = arith.constant 9 : i32
          %dma_wait3A_61 = arith.constant 0 : i32
          %dma_wait3A_62 = tpu.memref_slice %arg13[%dma_wait3A_60, %dma_wait3A_61] : memref<36x256xf32, #tpu.memory_space<vmem>> -> memref<9x256xf32, #tpu.memory_space<vmem>>
          %dma_wait3A_63 = tpu.memref_slice %arg3[%add3A_28, %mul3A_36] : memref<252x4096xf32, #tpu.memory_space<hbm>> -> memref<9x256xf32, #tpu.memory_space<hbm>>
          tpu.wait_dma2 semaphore(%run_scoped3A : memref<!tpu.dma_semaphore, #tpu.memory_space<semaphore_mem>>) src(%dma_wait3A_63 : memref<9x256xf32, #tpu.memory_space<hbm>>) dst(%dma_wait3A_62 : memref<9x256xf32, #tpu.memory_space<vmem>>)
          tpu.yield
        }) : () -> ()
        "tpu.region"() ({
          %run_scoped3A = tpu.sem_alloc : memref<!tpu.dma_semaphore, #tpu.memory_space<semaphore_mem>>
          %dma_start3A = arith.constant 9 : i32
          %dma_start3A_50 = arith.constant 0 : i32
          %dma_start3A_51 = tpu.memref_slice %arg14[%dma_start3A, %dma_start3A_50] : memref<36x256xi32, #tpu.memory_space<vmem>> -> memref<9x256xi32, #tpu.memory_space<vmem>>
          %dma_start3A_52 = tpu.memref_slice %arg7[%add3A_28, %mul3A_36] : memref<252x4096xi32, #tpu.memory_space<hbm>> -> memref<9x256xi32, #tpu.memory_space<hbm>>
          %dma_start3A_53 = arith.constant 9 : i32
          %dma_start3A_54 = arith.constant 0 : i32
          %dma_start3A_55 = tpu.memref_slice %arg14[%dma_start3A_53, %dma_start3A_54] : memref<36x256xi32, #tpu.memory_space<vmem>> -> memref<9x256xi32, #tpu.memory_space<vmem>>
          %dma_start3A_56 = tpu.memref_slice %arg7[%add3A_28, %mul3A_36] : memref<252x4096xi32, #tpu.memory_space<hbm>> -> memref<9x256xi32, #tpu.memory_space<hbm>>
          tpu.enqueue_dma source(%dma_start3A_56 : memref<9x256xi32, #tpu.memory_space<hbm>>) target(%dma_start3A_55 : memref<9x256xi32, #tpu.memory_space<vmem>>) target_semaphore(%run_scoped3A : memref<!tpu.dma_semaphore, #tpu.memory_space<semaphore_mem>>)
          %dma_wait3A = arith.constant 9 : i32
          %dma_wait3A_57 = arith.constant 0 : i32
          %dma_wait3A_58 = tpu.memref_slice %arg14[%dma_wait3A, %dma_wait3A_57] : memref<36x256xi32, #tpu.memory_space<vmem>> -> memref<9x256xi32, #tpu.memory_space<vmem>>
          %dma_wait3A_59 = tpu.memref_slice %arg7[%add3A_28, %mul3A_36] : memref<252x4096xi32, #tpu.memory_space<hbm>> -> memref<9x256xi32, #tpu.memory_space<hbm>>
          %dma_wait3A_60 = arith.constant 9 : i32
          %dma_wait3A_61 = arith.constant 0 : i32
          %dma_wait3A_62 = tpu.memref_slice %arg14[%dma_wait3A_60, %dma_wait3A_61] : memref<36x256xi32, #tpu.memory_space<vmem>> -> memref<9x256xi32, #tpu.memory_space<vmem>>
          %dma_wait3A_63 = tpu.memref_slice %arg7[%add3A_28, %mul3A_36] : memref<252x4096xi32, #tpu.memory_space<hbm>> -> memref<9x256xi32, #tpu.memory_space<hbm>>
          tpu.wait_dma2 semaphore(%run_scoped3A : memref<!tpu.dma_semaphore, #tpu.memory_space<semaphore_mem>>) src(%dma_wait3A_63 : memref<9x256xi32, #tpu.memory_space<hbm>>) dst(%dma_wait3A_62 : memref<9x256xi32, #tpu.memory_space<vmem>>)
          tpu.yield
        }) : () -> ()
        "tpu.region"() ({
          %run_scoped3A = tpu.sem_alloc : memref<!tpu.dma_semaphore, #tpu.memory_space<semaphore_mem>>
          %dma_start3A = arith.constant 18 : i32
          %dma_start3A_50 = arith.constant 0 : i32
          %dma_start3A_51 = tpu.memref_slice %arg13[%dma_start3A, %dma_start3A_50] : memref<36x256xf32, #tpu.memory_space<vmem>> -> memref<9x256xf32, #tpu.memory_space<vmem>>
          %dma_start3A_52 = tpu.memref_slice %arg4[%add3A_28, %mul3A_36] : memref<252x4096xf32, #tpu.memory_space<hbm>> -> memref<9x256xf32, #tpu.memory_space<hbm>>
          %dma_start3A_53 = arith.constant 18 : i32
          %dma_start3A_54 = arith.constant 0 : i32
          %dma_start3A_55 = tpu.memref_slice %arg13[%dma_start3A_53, %dma_start3A_54] : memref<36x256xf32, #tpu.memory_space<vmem>> -> memref<9x256xf32, #tpu.memory_space<vmem>>
          %dma_start3A_56 = tpu.memref_slice %arg4[%add3A_28, %mul3A_36] : memref<252x4096xf32, #tpu.memory_space<hbm>> -> memref<9x256xf32, #tpu.memory_space<hbm>>
          tpu.enqueue_dma source(%dma_start3A_56 : memref<9x256xf32, #tpu.memory_space<hbm>>) target(%dma_start3A_55 : memref<9x256xf32, #tpu.memory_space<vmem>>) target_semaphore(%run_scoped3A : memref<!tpu.dma_semaphore, #tpu.memory_space<semaphore_mem>>)
          %dma_wait3A = arith.constant 18 : i32
          %dma_wait3A_57 = arith.constant 0 : i32
          %dma_wait3A_58 = tpu.memref_slice %arg13[%dma_wait3A, %dma_wait3A_57] : memref<36x256xf32, #tpu.memory_space<vmem>> -> memref<9x256xf32, #tpu.memory_space<vmem>>
          %dma_wait3A_59 = tpu.memref_slice %arg4[%add3A_28, %mul3A_36] : memref<252x4096xf32, #tpu.memory_space<hbm>> -> memref<9x256xf32, #tpu.memory_space<hbm>>
          %dma_wait3A_60 = arith.constant 18 : i32
          %dma_wait3A_61 = arith.constant 0 : i32
          %dma_wait3A_62 = tpu.memref_slice %arg13[%dma_wait3A_60, %dma_wait3A_61] : memref<36x256xf32, #tpu.memory_space<vmem>> -> memref<9x256xf32, #tpu.memory_space<vmem>>
          %dma_wait3A_63 = tpu.memref_slice %arg4[%add3A_28, %mul3A_36] : memref<252x4096xf32, #tpu.memory_space<hbm>> -> memref<9x256xf32, #tpu.memory_space<hbm>>
          tpu.wait_dma2 semaphore(%run_scoped3A : memref<!tpu.dma_semaphore, #tpu.memory_space<semaphore_mem>>) src(%dma_wait3A_63 : memref<9x256xf32, #tpu.memory_space<hbm>>) dst(%dma_wait3A_62 : memref<9x256xf32, #tpu.memory_space<vmem>>)
          tpu.yield
        }) : () -> ()
        "tpu.region"() ({
          %run_scoped3A = tpu.sem_alloc : memref<!tpu.dma_semaphore, #tpu.memory_space<semaphore_mem>>
          %dma_start3A = arith.constant 18 : i32
          %dma_start3A_50 = arith.constant 0 : i32
          %dma_start3A_51 = tpu.memref_slice %arg14[%dma_start3A, %dma_start3A_50] : memref<36x256xi32, #tpu.memory_space<vmem>> -> memref<9x256xi32, #tpu.memory_space<vmem>>
          %dma_start3A_52 = tpu.memref_slice %arg8[%add3A_28, %mul3A_36] : memref<252x4096xi32, #tpu.memory_space<hbm>> -> memref<9x256xi32, #tpu.memory_space<hbm>>
          %dma_start3A_53 = arith.constant 18 : i32
          %dma_start3A_54 = arith.constant 0 : i32
          %dma_start3A_55 = tpu.memref_slice %arg14[%dma_start3A_53, %dma_start3A_54] : memref<36x256xi32, #tpu.memory_space<vmem>> -> memref<9x256xi32, #tpu.memory_space<vmem>>
          %dma_start3A_56 = tpu.memref_slice %arg8[%add3A_28, %mul3A_36] : memref<252x4096xi32, #tpu.memory_space<hbm>> -> memref<9x256xi32, #tpu.memory_space<hbm>>
          tpu.enqueue_dma source(%dma_start3A_56 : memref<9x256xi32, #tpu.memory_space<hbm>>) target(%dma_start3A_55 : memref<9x256xi32, #tpu.memory_space<vmem>>) target_semaphore(%run_scoped3A : memref<!tpu.dma_semaphore, #tpu.memory_space<semaphore_mem>>)
          %dma_wait3A = arith.constant 18 : i32
          %dma_wait3A_57 = arith.constant 0 : i32
          %dma_wait3A_58 = tpu.memref_slice %arg14[%dma_wait3A, %dma_wait3A_57] : memref<36x256xi32, #tpu.memory_space<vmem>> -> memref<9x256xi32, #tpu.memory_space<vmem>>
          %dma_wait3A_59 = tpu.memref_slice %arg8[%add3A_28, %mul3A_36] : memref<252x4096xi32, #tpu.memory_space<hbm>> -> memref<9x256xi32, #tpu.memory_space<hbm>>
          %dma_wait3A_60 = arith.constant 18 : i32
          %dma_wait3A_61 = arith.constant 0 : i32
          %dma_wait3A_62 = tpu.memref_slice %arg14[%dma_wait3A_60, %dma_wait3A_61] : memref<36x256xi32, #tpu.memory_space<vmem>> -> memref<9x256xi32, #tpu.memory_space<vmem>>
          %dma_wait3A_63 = tpu.memref_slice %arg8[%add3A_28, %mul3A_36] : memref<252x4096xi32, #tpu.memory_space<hbm>> -> memref<9x256xi32, #tpu.memory_space<hbm>>
          tpu.wait_dma2 semaphore(%run_scoped3A : memref<!tpu.dma_semaphore, #tpu.memory_space<semaphore_mem>>) src(%dma_wait3A_63 : memref<9x256xi32, #tpu.memory_space<hbm>>) dst(%dma_wait3A_62 : memref<9x256xi32, #tpu.memory_space<vmem>>)
          tpu.yield
        }) : () -> ()
        "tpu.region"() ({
          %run_scoped3A = tpu.sem_alloc : memref<!tpu.dma_semaphore, #tpu.memory_space<semaphore_mem>>
          %dma_start3A = arith.constant 27 : i32
          %dma_start3A_50 = arith.constant 0 : i32
          %dma_start3A_51 = tpu.memref_slice %arg13[%dma_start3A, %dma_start3A_50] : memref<36x256xf32, #tpu.memory_space<vmem>> -> memref<9x256xf32, #tpu.memory_space<vmem>>
          %dma_start3A_52 = tpu.memref_slice %arg5[%add3A_28, %mul3A_36] : memref<252x4096xf32, #tpu.memory_space<hbm>> -> memref<9x256xf32, #tpu.memory_space<hbm>>
          %dma_start3A_53 = arith.constant 27 : i32
          %dma_start3A_54 = arith.constant 0 : i32
          %dma_start3A_55 = tpu.memref_slice %arg13[%dma_start3A_53, %dma_start3A_54] : memref<36x256xf32, #tpu.memory_space<vmem>> -> memref<9x256xf32, #tpu.memory_space<vmem>>
          %dma_start3A_56 = tpu.memref_slice %arg5[%add3A_28, %mul3A_36] : memref<252x4096xf32, #tpu.memory_space<hbm>> -> memref<9x256xf32, #tpu.memory_space<hbm>>
          tpu.enqueue_dma source(%dma_start3A_56 : memref<9x256xf32, #tpu.memory_space<hbm>>) target(%dma_start3A_55 : memref<9x256xf32, #tpu.memory_space<vmem>>) target_semaphore(%run_scoped3A : memref<!tpu.dma_semaphore, #tpu.memory_space<semaphore_mem>>)
          %dma_wait3A = arith.constant 27 : i32
          %dma_wait3A_57 = arith.constant 0 : i32
          %dma_wait3A_58 = tpu.memref_slice %arg13[%dma_wait3A, %dma_wait3A_57] : memref<36x256xf32, #tpu.memory_space<vmem>> -> memref<9x256xf32, #tpu.memory_space<vmem>>
          %dma_wait3A_59 = tpu.memref_slice %arg5[%add3A_28, %mul3A_36] : memref<252x4096xf32, #tpu.memory_space<hbm>> -> memref<9x256xf32, #tpu.memory_space<hbm>>
          %dma_wait3A_60 = arith.constant 27 : i32
          %dma_wait3A_61 = arith.constant 0 : i32
          %dma_wait3A_62 = tpu.memref_slice %arg13[%dma_wait3A_60, %dma_wait3A_61] : memref<36x256xf32, #tpu.memory_space<vmem>> -> memref<9x256xf32, #tpu.memory_space<vmem>>
          %dma_wait3A_63 = tpu.memref_slice %arg5[%add3A_28, %mul3A_36] : memref<252x4096xf32, #tpu.memory_space<hbm>> -> memref<9x256xf32, #tpu.memory_space<hbm>>
          tpu.wait_dma2 semaphore(%run_scoped3A : memref<!tpu.dma_semaphore, #tpu.memory_space<semaphore_mem>>) src(%dma_wait3A_63 : memref<9x256xf32, #tpu.memory_space<hbm>>) dst(%dma_wait3A_62 : memref<9x256xf32, #tpu.memory_space<vmem>>)
          tpu.yield
        }) : () -> ()
        "tpu.region"() ({
          %run_scoped3A = tpu.sem_alloc : memref<!tpu.dma_semaphore, #tpu.memory_space<semaphore_mem>>
          %dma_start3A = arith.constant 27 : i32
          %dma_start3A_50 = arith.constant 0 : i32
          %dma_start3A_51 = tpu.memref_slice %arg14[%dma_start3A, %dma_start3A_50] : memref<36x256xi32, #tpu.memory_space<vmem>> -> memref<9x256xi32, #tpu.memory_space<vmem>>
          %dma_start3A_52 = tpu.memref_slice %arg9[%add3A_28, %mul3A_36] : memref<252x4096xi32, #tpu.memory_space<hbm>> -> memref<9x256xi32, #tpu.memory_space<hbm>>
          %dma_start3A_53 = arith.constant 27 : i32
          %dma_start3A_54 = arith.constant 0 : i32
          %dma_start3A_55 = tpu.memref_slice %arg14[%dma_start3A_53, %dma_start3A_54] : memref<36x256xi32, #tpu.memory_space<vmem>> -> memref<9x256xi32, #tpu.memory_space<vmem>>
          %dma_start3A_56 = tpu.memref_slice %arg9[%add3A_28, %mul3A_36] : memref<252x4096xi32, #tpu.memory_space<hbm>> -> memref<9x256xi32, #tpu.memory_space<hbm>>
          tpu.enqueue_dma source(%dma_start3A_56 : memref<9x256xi32, #tpu.memory_space<hbm>>) target(%dma_start3A_55 : memref<9x256xi32, #tpu.memory_space<vmem>>) target_semaphore(%run_scoped3A : memref<!tpu.dma_semaphore, #tpu.memory_space<semaphore_mem>>)
          %dma_wait3A = arith.constant 27 : i32
          %dma_wait3A_57 = arith.constant 0 : i32
          %dma_wait3A_58 = tpu.memref_slice %arg14[%dma_wait3A, %dma_wait3A_57] : memref<36x256xi32, #tpu.memory_space<vmem>> -> memref<9x256xi32, #tpu.memory_space<vmem>>
          %dma_wait3A_59 = tpu.memref_slice %arg9[%add3A_28, %mul3A_36] : memref<252x4096xi32, #tpu.memory_space<hbm>> -> memref<9x256xi32, #tpu.memory_space<hbm>>
          %dma_wait3A_60 = arith.constant 27 : i32
          %dma_wait3A_61 = arith.constant 0 : i32
          %dma_wait3A_62 = tpu.memref_slice %arg14[%dma_wait3A_60, %dma_wait3A_61] : memref<36x256xi32, #tpu.memory_space<vmem>> -> memref<9x256xi32, #tpu.memory_space<vmem>>
          %dma_wait3A_63 = tpu.memref_slice %arg9[%add3A_28, %mul3A_36] : memref<252x4096xi32, #tpu.memory_space<hbm>> -> memref<9x256xi32, #tpu.memory_space<hbm>>
          tpu.wait_dma2 semaphore(%run_scoped3A : memref<!tpu.dma_semaphore, #tpu.memory_space<semaphore_mem>>) src(%dma_wait3A_63 : memref<9x256xi32, #tpu.memory_space<hbm>>) dst(%dma_wait3A_62 : memref<9x256xi32, #tpu.memory_space<vmem>>)
          tpu.yield
        }) : () -> ()
        %broadcast_in_dim3A = arith.constant 0.000000e+00 : f32
        %broadcast_in_dim3A_37 = vector.broadcast %broadcast_in_dim3A : f32 to vector<16xf32>
        %scan3A_38 = arith.constant 0 : i32
        %scan3A_39 = arith.constant 0 : i32
        %scan3A_40 = arith.constant 384 : i32
        %scan3A_41 = arith.addi %scan3A_39, %scan3A_40 : i32
        %scan3A_42 = arith.constant 1 : i32
        scf.for %scan3A_50 = %scan3A_39 to %scan3A_41 step %scan3A_42  : i32 {
          %shift_right_arithmetic3A = arith.constant 4 : i32
          %shift_right_arithmetic3A_51 = arith.shrsi %scan3A_50, %shift_right_arithmetic3A : i32
          %and3A_52 = arith.constant 15 : i32
          %and3A_53 = arith.andi %scan3A_50, %and3A_52 : i32
          %mul3A_54 = arith.constant 16 : i32
          %mul3A_55 = arith.muli %and3A_53, %mul3A_54 : i32
          %swap3A = arith.index_cast %shift_right_arithmetic3A_51 : i32 to index
          %swap3A_56 = arith.index_cast %mul3A_55 : i32 to index
          %swap3A_57 = tpu.vector_load %arg15[%swap3A, %swap3A_56] {strides = array<i32>} : memref<24x256xf32, #tpu.memory_space<vmem>>, vector<16xf32>,
          tpu.vector_store %arg15[%swap3A, %swap3A_56], %broadcast_in_dim3A_37 {strides = array<i32>} : memref<24x256xf32, #tpu.memory_space<vmem>>, vector<16xf32>,
        }
        %scan3A_43 = arith.constant 384 : i32
        %scan3A_44 = arith.constant 0 : i32
        %scan3A_45 = arith.constant 0 : i32
        %scan3A_46 = arith.constant 16 : i32
        %scan3A_47 = arith.addi %scan3A_45, %scan3A_46 : i32
        %scan3A_48 = arith.constant 1 : i32
        scf.for %scan3A_50 = %scan3A_45 to %scan3A_47 step %scan3A_48  : i32 {
          %mul3A_51 = arith.constant 16 : i32
          %mul3A_52 = arith.muli %scan3A_50, %mul3A_51 : i32
          %scan3A_53 = arith.constant 0 : i32
          %scan3A_54 = arith.constant 0 : i32
          %scan3A_55 = arith.constant 36 : i32
          %scan3A_56 = arith.addi %scan3A_54, %scan3A_55 : i32
          %scan3A_57 = arith.constant 1 : i32
          scf.for %scan3A_59 = %scan3A_54 to %scan3A_56 step %scan3A_57  : i32 {
            %get3A = arith.index_cast %scan3A_59 : i32 to index
            %get3A_60 = arith.index_cast %mul3A_52 : i32 to index
            %get3A_61 = tpu.vector_load %arg14[%get3A, %get3A_60] {strides = array<i32>} : memref<36x256xi32, #tpu.memory_space<vmem>>, vector<16xi32>,
            %get3A_62 = arith.index_cast %scan3A_59 : i32 to index
            %get3A_63 = arith.index_cast %mul3A_52 : i32 to index
            %get3A_64 = tpu.vector_load %arg13[%get3A_62, %get3A_63] {strides = array<i32>} : memref<36x256xf32, #tpu.memory_space<vmem>>, vector<16xf32>,
            %scan3A_65 = arith.constant 0 : i32
            %scan3A_66 = arith.constant 0 : i32
            %scan3A_67 = arith.constant 24 : i32
            %scan3A_68 = arith.addi %scan3A_66, %scan3A_67 : i32
            %scan3A_69 = arith.constant 8 : i32
            scf.for %scan3A_71 = %scan3A_66 to %scan3A_68 step %scan3A_69  : i32 {
              %broadcast_in_dim3A_72 = arith.constant 0 : i32
              %broadcast_in_dim3A_73 = vector.broadcast %broadcast_in_dim3A_72 : i32 to vector<16xi32>
              %add3A_74 = vector.broadcast %scan3A_71 : i32 to vector<16xi32>
              %add3A_75 = arith.addi %broadcast_in_dim3A_73, %add3A_74 : vector<16xi32>
              %gather3A = tpu.vector_load_idx %arg12[%add3A_75, %get3A_61] : memref<24x4096xf32, #tpu.memory_space<vmem>>[vector<16xi32>, vector<16xi32>], vector<16xf32>,
              %mul3A_76 = arith.mulf %get3A_64, %gather3A : vector<16xf32>
              %swap3A = arith.index_cast %scan3A_71 : i32 to index
              %swap3A_77 = arith.index_cast %mul3A_52 : i32 to index
              %swap3A_78 = tpu.vector_load %arg15[%swap3A, %swap3A_77] {strides = array<i32>} : memref<24x256xf32, #tpu.memory_space<vmem>>, vector<16xf32>,
              tpu.vector_store %arg15[%swap3A, %swap3A_77], %mul3A_76 {add = true, strides = array<i32>} : memref<24x256xf32, #tpu.memory_space<vmem>>, vector<16xf32>,
              %scan3A_79 = arith.constant 1 : i32
              %scan3A_80 = arith.addi %scan3A_71, %scan3A_79 : i32
              %broadcast_in_dim3A_81 = arith.constant 0 : i32
              %broadcast_in_dim3A_82 = vector.broadcast %broadcast_in_dim3A_81 : i32 to vector<16xi32>
              %add3A_83 = vector.broadcast %scan3A_80 : i32 to vector<16xi32>
              %add3A_84 = arith.addi %broadcast_in_dim3A_82, %add3A_83 : vector<16xi32>
              %gather3A_85 = tpu.vector_load_idx %arg12[%add3A_84, %get3A_61] : memref<24x4096xf32, #tpu.memory_space<vmem>>[vector<16xi32>, vector<16xi32>], vector<16xf32>,
              %mul3A_86 = arith.mulf %get3A_64, %gather3A_85 : vector<16xf32>
              %swap3A_87 = arith.index_cast %scan3A_80 : i32 to index
              %swap3A_88 = arith.index_cast %mul3A_52 : i32 to index
              %swap3A_89 = tpu.vector_load %arg15[%swap3A_87, %swap3A_88] {strides = array<i32>} : memref<24x256xf32, #tpu.memory_space<vmem>>, vector<16xf32>,
              tpu.vector_store %arg15[%swap3A_87, %swap3A_88], %mul3A_86 {add = true, strides = array<i32>} : memref<24x256xf32, #tpu.memory_space<vmem>>, vector<16xf32>,
              %scan3A_90 = arith.constant 2 : i32
              %scan3A_91 = arith.addi %scan3A_71, %scan3A_90 : i32
              %broadcast_in_dim3A_92 = arith.constant 0 : i32
              %broadcast_in_dim3A_93 = vector.broadcast %broadcast_in_dim3A_92 : i32 to vector<16xi32>
              %add3A_94 = vector.broadcast %scan3A_91 : i32 to vector<16xi32>
              %add3A_95 = arith.addi %broadcast_in_dim3A_93, %add3A_94 : vector<16xi32>
              %gather3A_96 = tpu.vector_load_idx %arg12[%add3A_95, %get3A_61] : memref<24x4096xf32, #tpu.memory_space<vmem>>[vector<16xi32>, vector<16xi32>], vector<16xf32>,
              %mul3A_97 = arith.mulf %get3A_64, %gather3A_96 : vector<16xf32>
              %swap3A_98 = arith.index_cast %scan3A_91 : i32 to index
              %swap3A_99 = arith.index_cast %mul3A_52 : i32 to index
              %swap3A_100 = tpu.vector_load %arg15[%swap3A_98, %swap3A_99] {strides = array<i32>} : memref<24x256xf32, #tpu.memory_space<vmem>>, vector<16xf32>,
              tpu.vector_store %arg15[%swap3A_98, %swap3A_99], %mul3A_97 {add = true, strides = array<i32>} : memref<24x256xf32, #tpu.memory_space<vmem>>, vector<16xf32>,
              %scan3A_101 = arith.constant 3 : i32
              %scan3A_102 = arith.addi %scan3A_71, %scan3A_101 : i32
              %broadcast_in_dim3A_103 = arith.constant 0 : i32
              %broadcast_in_dim3A_104 = vector.broadcast %broadcast_in_dim3A_103 : i32 to vector<16xi32>
              %add3A_105 = vector.broadcast %scan3A_102 : i32 to vector<16xi32>
              %add3A_106 = arith.addi %broadcast_in_dim3A_104, %add3A_105 : vector<16xi32>
              %gather3A_107 = tpu.vector_load_idx %arg12[%add3A_106, %get3A_61] : memref<24x4096xf32, #tpu.memory_space<vmem>>[vector<16xi32>, vector<16xi32>], vector<16xf32>,
              %mul3A_108 = arith.mulf %get3A_64, %gather3A_107 : vector<16xf32>
              %swap3A_109 = arith.index_cast %scan3A_102 : i32 to index
              %swap3A_110 = arith.index_cast %mul3A_52 : i32 to index
              %swap3A_111 = tpu.vector_load %arg15[%swap3A_109, %swap3A_110] {strides = array<i32>} : memref<24x256xf32, #tpu.memory_space<vmem>>, vector<16xf32>,
              tpu.vector_store %arg15[%swap3A_109, %swap3A_110], %mul3A_108 {add = true, strides = array<i32>} : memref<24x256xf32, #tpu.memory_space<vmem>>, vector<16xf32>,
              %scan3A_112 = arith.constant 4 : i32
              %scan3A_113 = arith.addi %scan3A_71, %scan3A_112 : i32
              %broadcast_in_dim3A_114 = arith.constant 0 : i32
              %broadcast_in_dim3A_115 = vector.broadcast %broadcast_in_dim3A_114 : i32 to vector<16xi32>
              %add3A_116 = vector.broadcast %scan3A_113 : i32 to vector<16xi32>
              %add3A_117 = arith.addi %broadcast_in_dim3A_115, %add3A_116 : vector<16xi32>
              %gather3A_118 = tpu.vector_load_idx %arg12[%add3A_117, %get3A_61] : memref<24x4096xf32, #tpu.memory_space<vmem>>[vector<16xi32>, vector<16xi32>], vector<16xf32>,
              %mul3A_119 = arith.mulf %get3A_64, %gather3A_118 : vector<16xf32>
              %swap3A_120 = arith.index_cast %scan3A_113 : i32 to index
              %swap3A_121 = arith.index_cast %mul3A_52 : i32 to index
              %swap3A_122 = tpu.vector_load %arg15[%swap3A_120, %swap3A_121] {strides = array<i32>} : memref<24x256xf32, #tpu.memory_space<vmem>>, vector<16xf32>,
              tpu.vector_store %arg15[%swap3A_120, %swap3A_121], %mul3A_119 {add = true, strides = array<i32>} : memref<24x256xf32, #tpu.memory_space<vmem>>, vector<16xf32>,
              %scan3A_123 = arith.constant 5 : i32
              %scan3A_124 = arith.addi %scan3A_71, %scan3A_123 : i32
              %broadcast_in_dim3A_125 = arith.constant 0 : i32
              %broadcast_in_dim3A_126 = vector.broadcast %broadcast_in_dim3A_125 : i32 to vector<16xi32>
              %add3A_127 = vector.broadcast %scan3A_124 : i32 to vector<16xi32>
              %add3A_128 = arith.addi %broadcast_in_dim3A_126, %add3A_127 : vector<16xi32>
              %gather3A_129 = tpu.vector_load_idx %arg12[%add3A_128, %get3A_61] : memref<24x4096xf32, #tpu.memory_space<vmem>>[vector<16xi32>, vector<16xi32>], vector<16xf32>,
              %mul3A_130 = arith.mulf %get3A_64, %gather3A_129 : vector<16xf32>
              %swap3A_131 = arith.index_cast %scan3A_124 : i32 to index
              %swap3A_132 = arith.index_cast %mul3A_52 : i32 to index
              %swap3A_133 = tpu.vector_load %arg15[%swap3A_131, %swap3A_132] {strides = array<i32>} : memref<24x256xf32, #tpu.memory_space<vmem>>, vector<16xf32>,
              tpu.vector_store %arg15[%swap3A_131, %swap3A_132], %mul3A_130 {add = true, strides = array<i32>} : memref<24x256xf32, #tpu.memory_space<vmem>>, vector<16xf32>,
              %scan3A_134 = arith.constant 6 : i32
              %scan3A_135 = arith.addi %scan3A_71, %scan3A_134 : i32
              %broadcast_in_dim3A_136 = arith.constant 0 : i32
              %broadcast_in_dim3A_137 = vector.broadcast %broadcast_in_dim3A_136 : i32 to vector<16xi32>
              %add3A_138 = vector.broadcast %scan3A_135 : i32 to vector<16xi32>
              %add3A_139 = arith.addi %broadcast_in_dim3A_137, %add3A_138 : vector<16xi32>
              %gather3A_140 = tpu.vector_load_idx %arg12[%add3A_139, %get3A_61] : memref<24x4096xf32, #tpu.memory_space<vmem>>[vector<16xi32>, vector<16xi32>], vector<16xf32>,
              %mul3A_141 = arith.mulf %get3A_64, %gather3A_140 : vector<16xf32>
              %swap3A_142 = arith.index_cast %scan3A_135 : i32 to index
              %swap3A_143 = arith.index_cast %mul3A_52 : i32 to index
              %swap3A_144 = tpu.vector_load %arg15[%swap3A_142, %swap3A_143] {strides = array<i32>} : memref<24x256xf32, #tpu.memory_space<vmem>>, vector<16xf32>,
              tpu.vector_store %arg15[%swap3A_142, %swap3A_143], %mul3A_141 {add = true, strides = array<i32>} : memref<24x256xf32, #tpu.memory_space<vmem>>, vector<16xf32>,
              %scan3A_145 = arith.constant 7 : i32
              %scan3A_146 = arith.addi %scan3A_71, %scan3A_145 : i32
              %broadcast_in_dim3A_147 = arith.constant 0 : i32
              %broadcast_in_dim3A_148 = vector.broadcast %broadcast_in_dim3A_147 : i32 to vector<16xi32>
              %add3A_149 = vector.broadcast %scan3A_146 : i32 to vector<16xi32>
              %add3A_150 = arith.addi %broadcast_in_dim3A_148, %add3A_149 : vector<16xi32>
              %gather3A_151 = tpu.vector_load_idx %arg12[%add3A_150, %get3A_61] : memref<24x4096xf32, #tpu.memory_space<vmem>>[vector<16xi32>, vector<16xi32>], vector<16xf32>,
              %mul3A_152 = arith.mulf %get3A_64, %gather3A_151 : vector<16xf32>
              %swap3A_153 = arith.index_cast %scan3A_146 : i32 to index
              %swap3A_154 = arith.index_cast %mul3A_52 : i32 to index
              %swap3A_155 = tpu.vector_load %arg15[%swap3A_153, %swap3A_154] {strides = array<i32>} : memref<24x256xf32, #tpu.memory_space<vmem>>, vector<16xf32>,
              tpu.vector_store %arg15[%swap3A_153, %swap3A_154], %mul3A_152 {add = true, strides = array<i32>} : memref<24x256xf32, #tpu.memory_space<vmem>>, vector<16xf32>,
            }
            %scan3A_70 = arith.constant 24 : i32
          }
          %scan3A_58 = arith.constant 36 : i32
        }
        %scan3A_49 = arith.constant 16 : i32
        "tpu.region"() ({
          %run_scoped3A = tpu.sem_alloc : memref<!tpu.dma_semaphore, #tpu.memory_space<semaphore_mem>>
          %dma_start3A = arith.constant 0 : i32
          %dma_start3A_50 = tpu.memref_slice %arg11[%sub3A_19, %select_n3A, %dma_start3A, %mul3A_36] : memref<7x4x24x4096xf32, #tpu.memory_space<hbm>> -> memref<1x1x24x256xf32, #tpu.memory_space<hbm>>
          %dma_start3A_51 = tpu.memref_squeeze %dma_start3A_50 : memref<1x1x24x256xf32, #tpu.memory_space<hbm>> -> memref<24x256xf32, #tpu.memory_space<hbm>>
          %dma_start3A_52 = arith.constant 0 : i32
          %dma_start3A_53 = tpu.memref_slice %arg11[%sub3A_19, %select_n3A, %dma_start3A_52, %mul3A_36] : memref<7x4x24x4096xf32, #tpu.memory_space<hbm>> -> memref<1x1x24x256xf32, #tpu.memory_space<hbm>>
          %dma_start3A_54 = tpu.memref_squeeze %dma_start3A_53 : memref<1x1x24x256xf32, #tpu.memory_space<hbm>> -> memref<24x256xf32, #tpu.memory_space<hbm>>
          tpu.enqueue_dma source(%arg15 : memref<24x256xf32, #tpu.memory_space<vmem>>) target(%dma_start3A_54 : memref<24x256xf32, #tpu.memory_space<hbm>>) target_semaphore(%run_scoped3A : memref<!tpu.dma_semaphore, #tpu.memory_space<semaphore_mem>>)
          %dma_wait3A = arith.constant 0 : i32
          %dma_wait3A_55 = tpu.memref_slice %arg11[%sub3A_19, %select_n3A, %dma_wait3A, %mul3A_36] : memref<7x4x24x4096xf32, #tpu.memory_space<hbm>> -> memref<1x1x24x256xf32, #tpu.memory_space<hbm>>
          %dma_wait3A_56 = tpu.memref_squeeze %dma_wait3A_55 : memref<1x1x24x256xf32, #tpu.memory_space<hbm>> -> memref<24x256xf32, #tpu.memory_space<hbm>>
          %dma_wait3A_57 = arith.constant 0 : i32
          %dma_wait3A_58 = tpu.memref_slice %arg11[%sub3A_19, %select_n3A, %dma_wait3A_57, %mul3A_36] : memref<7x4x24x4096xf32, #tpu.memory_space<hbm>> -> memref<1x1x24x256xf32, #tpu.memory_space<hbm>>
          %dma_wait3A_59 = tpu.memref_squeeze %dma_wait3A_58 : memref<1x1x24x256xf32, #tpu.memory_space<hbm>> -> memref<24x256xf32, #tpu.memory_space<hbm>>
          tpu.wait_dma2 semaphore(%run_scoped3A : memref<!tpu.dma_semaphore, #tpu.memory_space<semaphore_mem>>) src(%arg15 : memref<24x256xf32, #tpu.memory_space<vmem>>) dst(%dma_wait3A_59 : memref<24x256xf32, #tpu.memory_space<hbm>>)
          tpu.yield
        }) : () -> ()
      }
      %scan3A_33 = arith.constant 16 : i32
    } else {
    }
    return
  }
}

module attributes {stable_mosaic.version = 14 : i64} {
  func.func @_stage_a(%arg0: i32, %arg1: memref<864x512xf32, #tpu.memory_space<vmem>>, %arg2: memref<7x96x512xf32, #tpu.memory_space<vmem>>, %arg3: memref<96x864xf32, #tpu.memory_space<vmem>>, %arg4: memref<96x1xf32, #tpu.memory_space<vmem>>, %arg5: memref<252x96xf32, #tpu.memory_space<vmem>>, %arg6: memref<252x1xf32, #tpu.memory_space<vmem>>, %arg7: memref<252x96xf32, #tpu.memory_space<vmem>>, %arg8: memref<252x1xf32, #tpu.memory_space<vmem>>, %arg9: memref<96x864xf32, #tpu.memory_space<vmem>>, %arg10: memref<96x1xf32, #tpu.memory_space<vmem>>, %arg11: memref<252x96xf32, #tpu.memory_space<vmem>>, %arg12: memref<252x1xf32, #tpu.memory_space<vmem>>, %arg13: memref<96x96xf32, #tpu.memory_space<vmem>>, %arg14: memref<96x1xf32, #tpu.memory_space<vmem>>, %arg15: memref<7x96x512xf32, #tpu.memory_space<vmem>>, %arg16: memref<252x512xf32, #tpu.memory_space<vmem>>, %arg17: memref<252x512xf32, #tpu.memory_space<vmem>>, %arg18: memref<252x512xf32, #tpu.memory_space<vmem>>, %arg19: memref<252x512xf32, #tpu.memory_space<vmem>>, %arg20: memref<252x512xi32, #tpu.memory_space<vmem>>, %arg21: memref<252x512xi32, #tpu.memory_space<vmem>>, %arg22: memref<252x512xi32, #tpu.memory_space<vmem>>, %arg23: memref<252x512xi32, #tpu.memory_space<vmem>>) attributes {dimension_semantics = [#tpu.dimension_semantics<arbitrary>], iteration_bounds = array<i64: 8>, scalar_prefetch = 0 : i64, scratch_operands = 0 : i64, tpu.core_type = #tpu.core_type<tc>, window_params = [{transform_indices = @transform_0, window_bounds = array<i64: 864, 512>}, {transform_indices = @transform_1, window_bounds = array<i64: 7, 96, 512>}, {pipeline_mode = #tpu.pipeline_mode<synchronous>, transform_indices = @transform_2, window_bounds = array<i64: 96, 864>}, {pipeline_mode = #tpu.pipeline_mode<synchronous>, transform_indices = @transform_3, window_bounds = array<i64: 96, 1>}, {pipeline_mode = #tpu.pipeline_mode<synchronous>, transform_indices = @transform_4, window_bounds = array<i64: 252, 96>}, {pipeline_mode = #tpu.pipeline_mode<synchronous>, transform_indices = @transform_5, window_bounds = array<i64: 252, 1>}, {pipeline_mode = #tpu.pipeline_mode<synchronous>, transform_indices = @transform_6, window_bounds = array<i64: 252, 96>}, {pipeline_mode = #tpu.pipeline_mode<synchronous>, transform_indices = @transform_7, window_bounds = array<i64: 252, 1>}, {pipeline_mode = #tpu.pipeline_mode<synchronous>, transform_indices = @transform_8, window_bounds = array<i64: 96, 864>}, {pipeline_mode = #tpu.pipeline_mode<synchronous>, transform_indices = @transform_9, window_bounds = array<i64: 96, 1>}, {pipeline_mode = #tpu.pipeline_mode<synchronous>, transform_indices = @transform_10, window_bounds = array<i64: 252, 96>}, {pipeline_mode = #tpu.pipeline_mode<synchronous>, transform_indices = @transform_11, window_bounds = array<i64: 252, 1>}, {pipeline_mode = #tpu.pipeline_mode<synchronous>, transform_indices = @transform_12, window_bounds = array<i64: 96, 96>}, {pipeline_mode = #tpu.pipeline_mode<synchronous>, transform_indices = @transform_13, window_bounds = array<i64: 96, 1>}, {transform_indices = @transform_14, window_bounds = array<i64: 7, 96, 512>}, {transform_indices = @transform_15, window_bounds = array<i64: 252, 512>}, {transform_indices = @transform_16, window_bounds = array<i64: 252, 512>}, {transform_indices = @transform_17, window_bounds = array<i64: 252, 512>}, {transform_indices = @transform_18, window_bounds = array<i64: 252, 512>}, {transform_indices = @transform_19, window_bounds = array<i64: 252, 512>}, {transform_indices = @transform_20, window_bounds = array<i64: 252, 512>}, {transform_indices = @transform_21, window_bounds = array<i64: 252, 512>}, {transform_indices = @transform_22, window_bounds = array<i64: 252, 512>}]} {
    %get3A = arith.constant 0 : index
    %get3A_0 = arith.constant 0 : index
    %get3A_1 = vector.load %arg1[%get3A, %get3A_0] : memref<864x512xf32, #tpu.memory_space<vmem>>, vector<864x512xf32>
    %get3A_2 = arith.constant 0 : index
    %get3A_3 = arith.constant 0 : index
    %get3A_4 = vector.load %arg3[%get3A_2, %get3A_3] : memref<96x864xf32, #tpu.memory_space<vmem>>, vector<96x864xf32>
    %dot_general3A = arith.constant dense<0.000000e+00> : vector<96x512xf32>
    %dot_general3A_5 = tpu.matmul %get3A_4, %get3A_1, %dot_general3A {dimension_numbers = #tpu.dot_dimension_numbers<[1], [0], [0], [1], [0, 0, 1, 1], [], []>, transpose_lhs_hint = false} : vector<96x864xf32>, vector<864x512xf32>, vector<96x512xf32> -> vector<96x512xf32>
    %get3A_6 = arith.constant 0 : index
    %get3A_7 = arith.constant 0 : index
    %get3A_8 = vector.load %arg4[%get3A_6, %get3A_7] : memref<96x1xf32, #tpu.memory_space<vmem>>, vector<96x1xf32>
    %add3A = vector.broadcast %get3A_8 : vector<96x1xf32> to vector<96x512xf32>
    %add3A_9 = arith.addf %dot_general3A_5, %add3A : vector<96x512xf32>
    %mul3A = arith.constant 5.000000e-01 : f32
    %mul3A_10 = vector.broadcast %mul3A : f32 to vector<96x512xf32>
    %mul3A_11 = arith.mulf %mul3A_10, %add3A_9 : vector<96x512xf32>
    %mul3A_12 = arith.constant 0.707106769 : f32
    %mul3A_13 = vector.broadcast %mul3A_12 : f32 to vector<96x512xf32>
    %mul3A_14 = arith.mulf %add3A_9, %mul3A_13 : vector<96x512xf32>
    %erf3A = math.erf %mul3A_14 : vector<96x512xf32>
    %add3A_15 = arith.constant 1.000000e+00 : f32
    %add3A_16 = vector.broadcast %add3A_15 : f32 to vector<96x512xf32>
    %add3A_17 = arith.addf %add3A_16, %erf3A : vector<96x512xf32>
    %mul3A_18 = arith.mulf %mul3A_11, %add3A_17 : vector<96x512xf32>
    %get3A_19 = arith.constant 0 : index
    %get3A_20 = arith.constant 0 : index
    %get3A_21 = vector.load %arg5[%get3A_19, %get3A_20] : memref<252x96xf32, #tpu.memory_space<vmem>>, vector<252x96xf32>
    %dot_general3A_22 = arith.constant dense<0.000000e+00> : vector<252x512xf32>
    %dot_general3A_23 = tpu.matmul %get3A_21, %mul3A_18, %dot_general3A_22 {dimension_numbers = #tpu.dot_dimension_numbers<[1], [0], [0], [1], [0, 0, 1, 1], [], []>, transpose_lhs_hint = false} : vector<252x96xf32>, vector<96x512xf32>, vector<252x512xf32> -> vector<252x512xf32>
    %get3A_24 = arith.constant 0 : index
    %get3A_25 = arith.constant 0 : index
    %get3A_26 = vector.load %arg6[%get3A_24, %get3A_25] : memref<252x1xf32, #tpu.memory_space<vmem>>, vector<252x1xf32>
    %add3A_27 = vector.broadcast %get3A_26 : vector<252x1xf32> to vector<252x512xf32>
    %add3A_28 = arith.addf %dot_general3A_23, %add3A_27 : vector<252x512xf32>
    %tanh3A = math.tanh %add3A_28 : vector<252x512xf32>
    %mul3A_29 = arith.constant 3.200000e+01 : f32
    %mul3A_30 = vector.broadcast %mul3A_29 : f32 to vector<252x512xf32>
    %mul3A_31 = arith.mulf %tanh3A, %mul3A_30 : vector<252x512xf32>
    %get3A_32 = arith.constant 0 : index
    %get3A_33 = arith.constant 0 : index
    %get3A_34 = vector.load %arg7[%get3A_32, %get3A_33] : memref<252x96xf32, #tpu.memory_space<vmem>>, vector<252x96xf32>
    %dot_general3A_35 = arith.constant dense<0.000000e+00> : vector<252x512xf32>
    %dot_general3A_36 = tpu.matmul %get3A_34, %mul3A_18, %dot_general3A_35 {dimension_numbers = #tpu.dot_dimension_numbers<[1], [0], [0], [1], [0, 0, 1, 1], [], []>, transpose_lhs_hint = false} : vector<252x96xf32>, vector<96x512xf32>, vector<252x512xf32> -> vector<252x512xf32>
    %get3A_37 = arith.constant 0 : index
    %get3A_38 = arith.constant 0 : index
    %get3A_39 = vector.load %arg8[%get3A_37, %get3A_38] : memref<252x1xf32, #tpu.memory_space<vmem>>, vector<252x1xf32>
    %add3A_40 = vector.broadcast %get3A_39 : vector<252x1xf32> to vector<252x512xf32>
    %add3A_41 = arith.addf %dot_general3A_36, %add3A_40 : vector<252x512xf32>
    %tanh3A_42 = math.tanh %add3A_41 : vector<252x512xf32>
    %mul3A_43 = arith.constant 3.200000e+01 : f32
    %mul3A_44 = vector.broadcast %mul3A_43 : f32 to vector<252x512xf32>
    %mul3A_45 = arith.mulf %tanh3A_42, %mul3A_44 : vector<252x512xf32>
    %get3A_46 = arith.constant 0 : index
    %get3A_47 = arith.constant 0 : index
    %get3A_48 = vector.load %arg9[%get3A_46, %get3A_47] : memref<96x864xf32, #tpu.memory_space<vmem>>, vector<96x864xf32>
    %dot_general3A_49 = arith.constant dense<0.000000e+00> : vector<96x512xf32>
    %dot_general3A_50 = tpu.matmul %get3A_48, %get3A_1, %dot_general3A_49 {dimension_numbers = #tpu.dot_dimension_numbers<[1], [0], [0], [1], [0, 0, 1, 1], [], []>, transpose_lhs_hint = false} : vector<96x864xf32>, vector<864x512xf32>, vector<96x512xf32> -> vector<96x512xf32>
    %get3A_51 = arith.constant 0 : index
    %get3A_52 = arith.constant 0 : index
    %get3A_53 = vector.load %arg10[%get3A_51, %get3A_52] : memref<96x1xf32, #tpu.memory_space<vmem>>, vector<96x1xf32>
    %add3A_54 = vector.broadcast %get3A_53 : vector<96x1xf32> to vector<96x512xf32>
    %add3A_55 = arith.addf %dot_general3A_50, %add3A_54 : vector<96x512xf32>
    %mul3A_56 = arith.constant 5.000000e-01 : f32
    %mul3A_57 = vector.broadcast %mul3A_56 : f32 to vector<96x512xf32>
    %mul3A_58 = arith.mulf %mul3A_57, %add3A_55 : vector<96x512xf32>
    %mul3A_59 = arith.constant 0.707106769 : f32
    %mul3A_60 = vector.broadcast %mul3A_59 : f32 to vector<96x512xf32>
    %mul3A_61 = arith.mulf %add3A_55, %mul3A_60 : vector<96x512xf32>
    %erf3A_62 = math.erf %mul3A_61 : vector<96x512xf32>
    %add3A_63 = arith.constant 1.000000e+00 : f32
    %add3A_64 = vector.broadcast %add3A_63 : f32 to vector<96x512xf32>
    %add3A_65 = arith.addf %add3A_64, %erf3A_62 : vector<96x512xf32>
    %mul3A_66 = arith.mulf %mul3A_58, %add3A_65 : vector<96x512xf32>
    %get3A_67 = arith.constant 0 : index
    %get3A_68 = arith.constant 0 : index
    %get3A_69 = vector.load %arg11[%get3A_67, %get3A_68] : memref<252x96xf32, #tpu.memory_space<vmem>>, vector<252x96xf32>
    %dot_general3A_70 = arith.constant dense<0.000000e+00> : vector<252x512xf32>
    %dot_general3A_71 = tpu.matmul %get3A_69, %mul3A_66, %dot_general3A_70 {dimension_numbers = #tpu.dot_dimension_numbers<[1], [0], [0], [1], [0, 0, 1, 1], [], []>, transpose_lhs_hint = false} : vector<252x96xf32>, vector<96x512xf32>, vector<252x512xf32> -> vector<252x512xf32>
    %get3A_72 = arith.constant 0 : index
    %get3A_73 = arith.constant 0 : index
    %get3A_74 = vector.load %arg12[%get3A_72, %get3A_73] : memref<252x1xf32, #tpu.memory_space<vmem>>, vector<252x1xf32>
    %add3A_75 = vector.broadcast %get3A_74 : vector<252x1xf32> to vector<252x512xf32>
    %add3A_76 = arith.addf %dot_general3A_71, %add3A_75 : vector<252x512xf32>
    %slice3A = vector.extract_strided_slice %add3A_76 {offsets = [0, 0], sizes = [63, 512], strides = [1, 1]} : vector<252x512xf32> to vector<63x512xf32>
    %reduce_max3A = arith.constant dense<0xFF800000> : vector<512xf32>
    %reduce_max3A_77 = vector.multi_reduction <maximumf>, %slice3A, %reduce_max3A [0] : vector<63x512xf32> to vector<512xf32>
    %broadcast_in_dim3A = vector.shape_cast %reduce_max3A_77 : vector<512xf32> to vector<1x512xf32>
    %sub3A = vector.broadcast %broadcast_in_dim3A : vector<1x512xf32> to vector<63x512xf32>
    %sub3A_78 = arith.subf %slice3A, %sub3A : vector<63x512xf32>
    %exp3A = math.exp %sub3A_78 : vector<63x512xf32>
    %reduce_sum3A = arith.constant dense<0.000000e+00> : vector<512xf32>
    %reduce_sum3A_79 = vector.multi_reduction <add>, %exp3A, %reduce_sum3A [0] : vector<63x512xf32> to vector<512xf32>
    %broadcast_in_dim3A_80 = vector.shape_cast %reduce_sum3A_79 : vector<512xf32> to vector<1x512xf32>
    %div3A = vector.broadcast %broadcast_in_dim3A_80 : vector<1x512xf32> to vector<63x512xf32>
    %div3A_81 = arith.divf %exp3A, %div3A : vector<63x512xf32>
    %slice3A_82 = vector.extract_strided_slice %add3A_76 {offsets = [63, 0], sizes = [63, 512], strides = [1, 1]} : vector<252x512xf32> to vector<63x512xf32>
    %reduce_max3A_83 = arith.constant dense<0xFF800000> : vector<512xf32>
    %reduce_max3A_84 = vector.multi_reduction <maximumf>, %slice3A_82, %reduce_max3A_83 [0] : vector<63x512xf32> to vector<512xf32>
    %broadcast_in_dim3A_85 = vector.shape_cast %reduce_max3A_84 : vector<512xf32> to vector<1x512xf32>
    %sub3A_86 = vector.broadcast %broadcast_in_dim3A_85 : vector<1x512xf32> to vector<63x512xf32>
    %sub3A_87 = arith.subf %slice3A_82, %sub3A_86 : vector<63x512xf32>
    %exp3A_88 = math.exp %sub3A_87 : vector<63x512xf32>
    %reduce_sum3A_89 = arith.constant dense<0.000000e+00> : vector<512xf32>
    %reduce_sum3A_90 = vector.multi_reduction <add>, %exp3A_88, %reduce_sum3A_89 [0] : vector<63x512xf32> to vector<512xf32>
    %broadcast_in_dim3A_91 = vector.shape_cast %reduce_sum3A_90 : vector<512xf32> to vector<1x512xf32>
    %div3A_92 = vector.broadcast %broadcast_in_dim3A_91 : vector<1x512xf32> to vector<63x512xf32>
    %div3A_93 = arith.divf %exp3A_88, %div3A_92 : vector<63x512xf32>
    %slice3A_94 = vector.extract_strided_slice %add3A_76 {offsets = [126, 0], sizes = [63, 512], strides = [1, 1]} : vector<252x512xf32> to vector<63x512xf32>
    %reduce_max3A_95 = arith.constant dense<0xFF800000> : vector<512xf32>
    %reduce_max3A_96 = vector.multi_reduction <maximumf>, %slice3A_94, %reduce_max3A_95 [0] : vector<63x512xf32> to vector<512xf32>
    %broadcast_in_dim3A_97 = vector.shape_cast %reduce_max3A_96 : vector<512xf32> to vector<1x512xf32>
    %sub3A_98 = vector.broadcast %broadcast_in_dim3A_97 : vector<1x512xf32> to vector<63x512xf32>
    %sub3A_99 = arith.subf %slice3A_94, %sub3A_98 : vector<63x512xf32>
    %exp3A_100 = math.exp %sub3A_99 : vector<63x512xf32>
    %reduce_sum3A_101 = arith.constant dense<0.000000e+00> : vector<512xf32>
    %reduce_sum3A_102 = vector.multi_reduction <add>, %exp3A_100, %reduce_sum3A_101 [0] : vector<63x512xf32> to vector<512xf32>
    %broadcast_in_dim3A_103 = vector.shape_cast %reduce_sum3A_102 : vector<512xf32> to vector<1x512xf32>
    %div3A_104 = vector.broadcast %broadcast_in_dim3A_103 : vector<1x512xf32> to vector<63x512xf32>
    %div3A_105 = arith.divf %exp3A_100, %div3A_104 : vector<63x512xf32>
    %slice3A_106 = vector.extract_strided_slice %add3A_76 {offsets = [189, 0], sizes = [63, 512], strides = [1, 1]} : vector<252x512xf32> to vector<63x512xf32>
    %reduce_max3A_107 = arith.constant dense<0xFF800000> : vector<512xf32>
    %reduce_max3A_108 = vector.multi_reduction <maximumf>, %slice3A_106, %reduce_max3A_107 [0] : vector<63x512xf32> to vector<512xf32>
    %broadcast_in_dim3A_109 = vector.shape_cast %reduce_max3A_108 : vector<512xf32> to vector<1x512xf32>
    %sub3A_110 = vector.broadcast %broadcast_in_dim3A_109 : vector<1x512xf32> to vector<63x512xf32>
    %sub3A_111 = arith.subf %slice3A_106, %sub3A_110 : vector<63x512xf32>
    %exp3A_112 = math.exp %sub3A_111 : vector<63x512xf32>
    %reduce_sum3A_113 = arith.constant dense<0.000000e+00> : vector<512xf32>
    %reduce_sum3A_114 = vector.multi_reduction <add>, %exp3A_112, %reduce_sum3A_113 [0] : vector<63x512xf32> to vector<512xf32>
    %broadcast_in_dim3A_115 = vector.shape_cast %reduce_sum3A_114 : vector<512xf32> to vector<1x512xf32>
    %div3A_116 = vector.broadcast %broadcast_in_dim3A_115 : vector<1x512xf32> to vector<63x512xf32>
    %div3A_117 = arith.divf %exp3A_112, %div3A_116 : vector<63x512xf32>
    %concatenate3A = tpu.concatenate %div3A_81, %div3A_93, %div3A_105, %div3A_117 in 0 : vector<63x512xf32>, vector<63x512xf32>, vector<63x512xf32>, vector<63x512xf32> -> vector<252x512xf32>
    %get3A_118 = arith.constant 0 : index
    %get3A_119 = arith.constant 0 : index
    %get3A_120 = vector.load %arg13[%get3A_118, %get3A_119] : memref<96x96xf32, #tpu.memory_space<vmem>>, vector<96x96xf32>
    %get3A_121 = arith.constant 0 : index
    %get3A_122 = arith.constant 0 : index
    %get3A_123 = arith.constant 0 : index
    %get3A_124 = vector.load %arg2[%get3A_121, %get3A_122, %get3A_123] : memref<7x96x512xf32, #tpu.memory_space<vmem>>, vector<1x96x512xf32>
    %get3A_125 = vector.shape_cast %get3A_124 : vector<1x96x512xf32> to vector<96x512xf32>
    %dot_general3A_126 = arith.constant dense<0.000000e+00> : vector<96x512xf32>
    %dot_general3A_127 = tpu.matmul %get3A_120, %get3A_125, %dot_general3A_126 {dimension_numbers = #tpu.dot_dimension_numbers<[1], [0], [0], [1], [0, 0, 1, 1], [], []>, transpose_lhs_hint = false} : vector<96x96xf32>, vector<96x512xf32>, vector<96x512xf32> -> vector<96x512xf32>
    %get3A_128 = arith.constant 0 : index
    %get3A_129 = arith.constant 0 : index
    %get3A_130 = vector.load %arg14[%get3A_128, %get3A_129] : memref<96x1xf32, #tpu.memory_space<vmem>>, vector<96x1xf32>
    %add3A_131 = vector.broadcast %get3A_130 : vector<96x1xf32> to vector<96x512xf32>
    %add3A_132 = arith.addf %dot_general3A_127, %add3A_131 : vector<96x512xf32>
    %swap3A = arith.constant 0 : index
    %swap3A_133 = arith.constant 0 : index
    %swap3A_134 = arith.constant 0 : index
    %swap3A_135 = vector.load %arg15[%swap3A, %swap3A_133, %swap3A_134] : memref<7x96x512xf32, #tpu.memory_space<vmem>>, vector<1x96x512xf32>
    %swap3A_136 = vector.shape_cast %swap3A_135 : vector<1x96x512xf32> to vector<96x512xf32>
    %swap3A_137 = vector.shape_cast %add3A_132 : vector<96x512xf32> to vector<1x96x512xf32>
    tpu.vector_store %arg15[%swap3A, %swap3A_133, %swap3A_134], %swap3A_137 {strides = array<i32>} : memref<7x96x512xf32, #tpu.memory_space<vmem>>, vector<1x96x512xf32>,
    %get3A_138 = arith.constant 0 : index
    %get3A_139 = arith.constant 0 : index
    %get3A_140 = vector.load %arg13[%get3A_138, %get3A_139] : memref<96x96xf32, #tpu.memory_space<vmem>>, vector<96x96xf32>
    %get3A_141 = arith.constant 1 : index
    %get3A_142 = arith.constant 0 : index
    %get3A_143 = arith.constant 0 : index
    %get3A_144 = vector.load %arg2[%get3A_141, %get3A_142, %get3A_143] : memref<7x96x512xf32, #tpu.memory_space<vmem>>, vector<1x96x512xf32>
    %get3A_145 = vector.shape_cast %get3A_144 : vector<1x96x512xf32> to vector<96x512xf32>
    %dot_general3A_146 = arith.constant dense<0.000000e+00> : vector<96x512xf32>
    %dot_general3A_147 = tpu.matmul %get3A_140, %get3A_145, %dot_general3A_146 {dimension_numbers = #tpu.dot_dimension_numbers<[1], [0], [0], [1], [0, 0, 1, 1], [], []>, transpose_lhs_hint = false} : vector<96x96xf32>, vector<96x512xf32>, vector<96x512xf32> -> vector<96x512xf32>
    %get3A_148 = arith.constant 0 : index
    %get3A_149 = arith.constant 0 : index
    %get3A_150 = vector.load %arg14[%get3A_148, %get3A_149] : memref<96x1xf32, #tpu.memory_space<vmem>>, vector<96x1xf32>
    %add3A_151 = vector.broadcast %get3A_150 : vector<96x1xf32> to vector<96x512xf32>
    %add3A_152 = arith.addf %dot_general3A_147, %add3A_151 : vector<96x512xf32>
    %swap3A_153 = arith.constant 1 : index
    %swap3A_154 = arith.constant 0 : index
    %swap3A_155 = arith.constant 0 : index
    %swap3A_156 = vector.load %arg15[%swap3A_153, %swap3A_154, %swap3A_155] : memref<7x96x512xf32, #tpu.memory_space<vmem>>, vector<1x96x512xf32>
    %swap3A_157 = vector.shape_cast %swap3A_156 : vector<1x96x512xf32> to vector<96x512xf32>
    %swap3A_158 = vector.shape_cast %add3A_152 : vector<96x512xf32> to vector<1x96x512xf32>
    tpu.vector_store %arg15[%swap3A_153, %swap3A_154, %swap3A_155], %swap3A_158 {strides = array<i32>} : memref<7x96x512xf32, #tpu.memory_space<vmem>>, vector<1x96x512xf32>,
    %get3A_159 = arith.constant 0 : index
    %get3A_160 = arith.constant 0 : index
    %get3A_161 = vector.load %arg13[%get3A_159, %get3A_160] : memref<96x96xf32, #tpu.memory_space<vmem>>, vector<96x96xf32>
    %get3A_162 = arith.constant 2 : index
    %get3A_163 = arith.constant 0 : index
    %get3A_164 = arith.constant 0 : index
    %get3A_165 = vector.load %arg2[%get3A_162, %get3A_163, %get3A_164] : memref<7x96x512xf32, #tpu.memory_space<vmem>>, vector<1x96x512xf32>
    %get3A_166 = vector.shape_cast %get3A_165 : vector<1x96x512xf32> to vector<96x512xf32>
    %dot_general3A_167 = arith.constant dense<0.000000e+00> : vector<96x512xf32>
    %dot_general3A_168 = tpu.matmul %get3A_161, %get3A_166, %dot_general3A_167 {dimension_numbers = #tpu.dot_dimension_numbers<[1], [0], [0], [1], [0, 0, 1, 1], [], []>, transpose_lhs_hint = false} : vector<96x96xf32>, vector<96x512xf32>, vector<96x512xf32> -> vector<96x512xf32>
    %get3A_169 = arith.constant 0 : index
    %get3A_170 = arith.constant 0 : index
    %get3A_171 = vector.load %arg14[%get3A_169, %get3A_170] : memref<96x1xf32, #tpu.memory_space<vmem>>, vector<96x1xf32>
    %add3A_172 = vector.broadcast %get3A_171 : vector<96x1xf32> to vector<96x512xf32>
    %add3A_173 = arith.addf %dot_general3A_168, %add3A_172 : vector<96x512xf32>
    %swap3A_174 = arith.constant 2 : index
    %swap3A_175 = arith.constant 0 : index
    %swap3A_176 = arith.constant 0 : index
    %swap3A_177 = vector.load %arg15[%swap3A_174, %swap3A_175, %swap3A_176] : memref<7x96x512xf32, #tpu.memory_space<vmem>>, vector<1x96x512xf32>
    %swap3A_178 = vector.shape_cast %swap3A_177 : vector<1x96x512xf32> to vector<96x512xf32>
    %swap3A_179 = vector.shape_cast %add3A_173 : vector<96x512xf32> to vector<1x96x512xf32>
    tpu.vector_store %arg15[%swap3A_174, %swap3A_175, %swap3A_176], %swap3A_179 {strides = array<i32>} : memref<7x96x512xf32, #tpu.memory_space<vmem>>, vector<1x96x512xf32>,
    %get3A_180 = arith.constant 0 : index
    %get3A_181 = arith.constant 0 : index
    %get3A_182 = vector.load %arg13[%get3A_180, %get3A_181] : memref<96x96xf32, #tpu.memory_space<vmem>>, vector<96x96xf32>
    %get3A_183 = arith.constant 3 : index
    %get3A_184 = arith.constant 0 : index
    %get3A_185 = arith.constant 0 : index
    %get3A_186 = vector.load %arg2[%get3A_183, %get3A_184, %get3A_185] : memref<7x96x512xf32, #tpu.memory_space<vmem>>, vector<1x96x512xf32>
    %get3A_187 = vector.shape_cast %get3A_186 : vector<1x96x512xf32> to vector<96x512xf32>
    %dot_general3A_188 = arith.constant dense<0.000000e+00> : vector<96x512xf32>
    %dot_general3A_189 = tpu.matmul %get3A_182, %get3A_187, %dot_general3A_188 {dimension_numbers = #tpu.dot_dimension_numbers<[1], [0], [0], [1], [0, 0, 1, 1], [], []>, transpose_lhs_hint = false} : vector<96x96xf32>, vector<96x512xf32>, vector<96x512xf32> -> vector<96x512xf32>
    %get3A_190 = arith.constant 0 : index
    %get3A_191 = arith.constant 0 : index
    %get3A_192 = vector.load %arg14[%get3A_190, %get3A_191] : memref<96x1xf32, #tpu.memory_space<vmem>>, vector<96x1xf32>
    %add3A_193 = vector.broadcast %get3A_192 : vector<96x1xf32> to vector<96x512xf32>
    %add3A_194 = arith.addf %dot_general3A_189, %add3A_193 : vector<96x512xf32>
    %swap3A_195 = arith.constant 3 : index
    %swap3A_196 = arith.constant 0 : index
    %swap3A_197 = arith.constant 0 : index
    %swap3A_198 = vector.load %arg15[%swap3A_195, %swap3A_196, %swap3A_197] : memref<7x96x512xf32, #tpu.memory_space<vmem>>, vector<1x96x512xf32>
    %swap3A_199 = vector.shape_cast %swap3A_198 : vector<1x96x512xf32> to vector<96x512xf32>
    %swap3A_200 = vector.shape_cast %add3A_194 : vector<96x512xf32> to vector<1x96x512xf32>
    tpu.vector_store %arg15[%swap3A_195, %swap3A_196, %swap3A_197], %swap3A_200 {strides = array<i32>} : memref<7x96x512xf32, #tpu.memory_space<vmem>>, vector<1x96x512xf32>,
    %get3A_201 = arith.constant 0 : index
    %get3A_202 = arith.constant 0 : index
    %get3A_203 = vector.load %arg13[%get3A_201, %get3A_202] : memref<96x96xf32, #tpu.memory_space<vmem>>, vector<96x96xf32>
    %get3A_204 = arith.constant 4 : index
    %get3A_205 = arith.constant 0 : index
    %get3A_206 = arith.constant 0 : index
    %get3A_207 = vector.load %arg2[%get3A_204, %get3A_205, %get3A_206] : memref<7x96x512xf32, #tpu.memory_space<vmem>>, vector<1x96x512xf32>
    %get3A_208 = vector.shape_cast %get3A_207 : vector<1x96x512xf32> to vector<96x512xf32>
    %dot_general3A_209 = arith.constant dense<0.000000e+00> : vector<96x512xf32>
    %dot_general3A_210 = tpu.matmul %get3A_203, %get3A_208, %dot_general3A_209 {dimension_numbers = #tpu.dot_dimension_numbers<[1], [0], [0], [1], [0, 0, 1, 1], [], []>, transpose_lhs_hint = false} : vector<96x96xf32>, vector<96x512xf32>, vector<96x512xf32> -> vector<96x512xf32>
    %get3A_211 = arith.constant 0 : index
    %get3A_212 = arith.constant 0 : index
    %get3A_213 = vector.load %arg14[%get3A_211, %get3A_212] : memref<96x1xf32, #tpu.memory_space<vmem>>, vector<96x1xf32>
    %add3A_214 = vector.broadcast %get3A_213 : vector<96x1xf32> to vector<96x512xf32>
    %add3A_215 = arith.addf %dot_general3A_210, %add3A_214 : vector<96x512xf32>
    %swap3A_216 = arith.constant 4 : index
    %swap3A_217 = arith.constant 0 : index
    %swap3A_218 = arith.constant 0 : index
    %swap3A_219 = vector.load %arg15[%swap3A_216, %swap3A_217, %swap3A_218] : memref<7x96x512xf32, #tpu.memory_space<vmem>>, vector<1x96x512xf32>
    %swap3A_220 = vector.shape_cast %swap3A_219 : vector<1x96x512xf32> to vector<96x512xf32>
    %swap3A_221 = vector.shape_cast %add3A_215 : vector<96x512xf32> to vector<1x96x512xf32>
    tpu.vector_store %arg15[%swap3A_216, %swap3A_217, %swap3A_218], %swap3A_221 {strides = array<i32>} : memref<7x96x512xf32, #tpu.memory_space<vmem>>, vector<1x96x512xf32>,
    %get3A_222 = arith.constant 0 : index
    %get3A_223 = arith.constant 0 : index
    %get3A_224 = vector.load %arg13[%get3A_222, %get3A_223] : memref<96x96xf32, #tpu.memory_space<vmem>>, vector<96x96xf32>
    %get3A_225 = arith.constant 5 : index
    %get3A_226 = arith.constant 0 : index
    %get3A_227 = arith.constant 0 : index
    %get3A_228 = vector.load %arg2[%get3A_225, %get3A_226, %get3A_227] : memref<7x96x512xf32, #tpu.memory_space<vmem>>, vector<1x96x512xf32>
    %get3A_229 = vector.shape_cast %get3A_228 : vector<1x96x512xf32> to vector<96x512xf32>
    %dot_general3A_230 = arith.constant dense<0.000000e+00> : vector<96x512xf32>
    %dot_general3A_231 = tpu.matmul %get3A_224, %get3A_229, %dot_general3A_230 {dimension_numbers = #tpu.dot_dimension_numbers<[1], [0], [0], [1], [0, 0, 1, 1], [], []>, transpose_lhs_hint = false} : vector<96x96xf32>, vector<96x512xf32>, vector<96x512xf32> -> vector<96x512xf32>
    %get3A_232 = arith.constant 0 : index
    %get3A_233 = arith.constant 0 : index
    %get3A_234 = vector.load %arg14[%get3A_232, %get3A_233] : memref<96x1xf32, #tpu.memory_space<vmem>>, vector<96x1xf32>
    %add3A_235 = vector.broadcast %get3A_234 : vector<96x1xf32> to vector<96x512xf32>
    %add3A_236 = arith.addf %dot_general3A_231, %add3A_235 : vector<96x512xf32>
    %swap3A_237 = arith.constant 5 : index
    %swap3A_238 = arith.constant 0 : index
    %swap3A_239 = arith.constant 0 : index
    %swap3A_240 = vector.load %arg15[%swap3A_237, %swap3A_238, %swap3A_239] : memref<7x96x512xf32, #tpu.memory_space<vmem>>, vector<1x96x512xf32>
    %swap3A_241 = vector.shape_cast %swap3A_240 : vector<1x96x512xf32> to vector<96x512xf32>
    %swap3A_242 = vector.shape_cast %add3A_236 : vector<96x512xf32> to vector<1x96x512xf32>
    tpu.vector_store %arg15[%swap3A_237, %swap3A_238, %swap3A_239], %swap3A_242 {strides = array<i32>} : memref<7x96x512xf32, #tpu.memory_space<vmem>>, vector<1x96x512xf32>,
    %get3A_243 = arith.constant 0 : index
    %get3A_244 = arith.constant 0 : index
    %get3A_245 = vector.load %arg13[%get3A_243, %get3A_244] : memref<96x96xf32, #tpu.memory_space<vmem>>, vector<96x96xf32>
    %get3A_246 = arith.constant 6 : index
    %get3A_247 = arith.constant 0 : index
    %get3A_248 = arith.constant 0 : index
    %get3A_249 = vector.load %arg2[%get3A_246, %get3A_247, %get3A_248] : memref<7x96x512xf32, #tpu.memory_space<vmem>>, vector<1x96x512xf32>
    %get3A_250 = vector.shape_cast %get3A_249 : vector<1x96x512xf32> to vector<96x512xf32>
    %dot_general3A_251 = arith.constant dense<0.000000e+00> : vector<96x512xf32>
    %dot_general3A_252 = tpu.matmul %get3A_245, %get3A_250, %dot_general3A_251 {dimension_numbers = #tpu.dot_dimension_numbers<[1], [0], [0], [1], [0, 0, 1, 1], [], []>, transpose_lhs_hint = false} : vector<96x96xf32>, vector<96x512xf32>, vector<96x512xf32> -> vector<96x512xf32>
    %get3A_253 = arith.constant 0 : index
    %get3A_254 = arith.constant 0 : index
    %get3A_255 = vector.load %arg14[%get3A_253, %get3A_254] : memref<96x1xf32, #tpu.memory_space<vmem>>, vector<96x1xf32>
    %add3A_256 = vector.broadcast %get3A_255 : vector<96x1xf32> to vector<96x512xf32>
    %add3A_257 = arith.addf %dot_general3A_252, %add3A_256 : vector<96x512xf32>
    %swap3A_258 = arith.constant 6 : index
    %swap3A_259 = arith.constant 0 : index
    %swap3A_260 = arith.constant 0 : index
    %swap3A_261 = vector.load %arg15[%swap3A_258, %swap3A_259, %swap3A_260] : memref<7x96x512xf32, #tpu.memory_space<vmem>>, vector<1x96x512xf32>
    %swap3A_262 = vector.shape_cast %swap3A_261 : vector<1x96x512xf32> to vector<96x512xf32>
    %swap3A_263 = vector.shape_cast %add3A_257 : vector<96x512xf32> to vector<1x96x512xf32>
    tpu.vector_store %arg15[%swap3A_258, %swap3A_259, %swap3A_260], %swap3A_263 {strides = array<i32>} : memref<7x96x512xf32, #tpu.memory_space<vmem>>, vector<1x96x512xf32>,
    %iota3A = tpu.iota {dimensions = array<i32: 1>} : vector<1x512xi32>
    %and3A = arith.constant 63 : i32
    %and3A_264 = vector.broadcast %and3A : i32 to vector<1x512xi32>
    %and3A_265 = arith.andi %iota3A, %and3A_264 : vector<1x512xi32>
    %convert_element_type3A = arith.sitofp %and3A_265 : vector<1x512xi32> to vector<1x512xf32>
    %shift_right_arithmetic3A = arith.constant 6 : i32
    %shift_right_arithmetic3A_266 = vector.broadcast %shift_right_arithmetic3A : i32 to vector<1x512xi32>
    %shift_right_arithmetic3A_267 = arith.shrsi %iota3A, %shift_right_arithmetic3A_266 : vector<1x512xi32>
    %mul3A_268 = arith.constant 8 : i32
    %mul3A_269 = arith.muli %arg0, %mul3A_268 : i32
    %add3A_270 = vector.broadcast %mul3A_269 : i32 to vector<1x512xi32>
    %add3A_271 = arith.addi %shift_right_arithmetic3A_267, %add3A_270 : vector<1x512xi32>
    %convert_element_type3A_272 = arith.sitofp %add3A_271 : vector<1x512xi32> to vector<1x512xf32>
    %add3A_273 = vector.broadcast %convert_element_type3A : vector<1x512xf32> to vector<252x512xf32>
    %add3A_274 = arith.addf %add3A_273, %mul3A_31 : vector<252x512xf32>
    %div3A_275 = arith.constant 6.300000e+01 : f32
    %div3A_276 = vector.broadcast %div3A_275 : f32 to vector<252x512xf32>
    %div3A_277 = arith.divf %add3A_274, %div3A_276 : vector<252x512xf32>
    %mul3A_278 = arith.constant 2.000000e+00 : f32
    %mul3A_279 = vector.broadcast %mul3A_278 : f32 to vector<252x512xf32>
    %mul3A_280 = arith.mulf %div3A_277, %mul3A_279 : vector<252x512xf32>
    %sub3A_281 = arith.constant 1.000000e+00 : f32
    %sub3A_282 = vector.broadcast %sub3A_281 : f32 to vector<252x512xf32>
    %sub3A_283 = arith.subf %mul3A_280, %sub3A_282 : vector<252x512xf32>
    %add3A_284 = vector.broadcast %convert_element_type3A_272 : vector<1x512xf32> to vector<252x512xf32>
    %add3A_285 = arith.addf %add3A_284, %mul3A_45 : vector<252x512xf32>
    %div3A_286 = arith.constant 6.300000e+01 : f32
    %div3A_287 = vector.broadcast %div3A_286 : f32 to vector<252x512xf32>
    %div3A_288 = arith.divf %add3A_285, %div3A_287 : vector<252x512xf32>
    %mul3A_289 = arith.constant 2.000000e+00 : f32
    %mul3A_290 = vector.broadcast %mul3A_289 : f32 to vector<252x512xf32>
    %mul3A_291 = arith.mulf %div3A_288, %mul3A_290 : vector<252x512xf32>
    %sub3A_292 = arith.constant 1.000000e+00 : f32
    %sub3A_293 = vector.broadcast %sub3A_292 : f32 to vector<252x512xf32>
    %sub3A_294 = arith.subf %mul3A_291, %sub3A_293 : vector<252x512xf32>
    %add3A_295 = arith.constant 1.000000e+00 : f32
    %add3A_296 = vector.broadcast %add3A_295 : f32 to vector<252x512xf32>
    %add3A_297 = arith.addf %sub3A_283, %add3A_296 : vector<252x512xf32>
    %mul3A_298 = arith.constant 5.000000e-01 : f32
    %mul3A_299 = vector.broadcast %mul3A_298 : f32 to vector<252x512xf32>
    %mul3A_300 = arith.mulf %add3A_297, %mul3A_299 : vector<252x512xf32>
    %mul3A_301 = arith.constant 6.300000e+01 : f32
    %mul3A_302 = vector.broadcast %mul3A_301 : f32 to vector<252x512xf32>
    %mul3A_303 = arith.mulf %mul3A_300, %mul3A_302 : vector<252x512xf32>
    %add3A_304 = arith.constant 1.000000e+00 : f32
    %add3A_305 = vector.broadcast %add3A_304 : f32 to vector<252x512xf32>
    %add3A_306 = arith.addf %sub3A_294, %add3A_305 : vector<252x512xf32>
    %mul3A_307 = arith.constant 5.000000e-01 : f32
    %mul3A_308 = vector.broadcast %mul3A_307 : f32 to vector<252x512xf32>
    %mul3A_309 = arith.mulf %add3A_306, %mul3A_308 : vector<252x512xf32>
    %mul3A_310 = arith.constant 6.300000e+01 : f32
    %mul3A_311 = vector.broadcast %mul3A_310 : f32 to vector<252x512xf32>
    %mul3A_312 = arith.mulf %mul3A_309, %mul3A_311 : vector<252x512xf32>
    %floor3A = math.floor %mul3A_303 : vector<252x512xf32>
    %floor3A_313 = math.floor %mul3A_312 : vector<252x512xf32>
    %sub3A_314 = arith.subf %mul3A_303, %floor3A : vector<252x512xf32>
    %sub3A_315 = arith.constant 1.000000e+00 : f32
    %sub3A_316 = vector.broadcast %sub3A_315 : f32 to vector<252x512xf32>
    %sub3A_317 = arith.subf %sub3A_316, %sub3A_314 : vector<252x512xf32>
    %sub3A_318 = arith.subf %mul3A_312, %floor3A_313 : vector<252x512xf32>
    %sub3A_319 = arith.constant 1.000000e+00 : f32
    %sub3A_320 = vector.broadcast %sub3A_319 : f32 to vector<252x512xf32>
    %sub3A_321 = arith.subf %sub3A_320, %sub3A_318 : vector<252x512xf32>
    %add3A_322 = arith.constant 1.000000e+00 : f32
    %add3A_323 = vector.broadcast %add3A_322 : f32 to vector<252x512xf32>
    %add3A_324 = arith.addf %floor3A, %add3A_323 : vector<252x512xf32>
    %add3A_325 = arith.constant 1.000000e+00 : f32
    %add3A_326 = vector.broadcast %add3A_325 : f32 to vector<252x512xf32>
    %add3A_327 = arith.addf %floor3A_313, %add3A_326 : vector<252x512xf32>
    %mul3A_328 = arith.mulf %sub3A_321, %sub3A_317 : vector<252x512xf32>
    %ge3A = arith.constant 0.000000e+00 : f32
    %ge3A_329 = vector.broadcast %ge3A : f32 to vector<252x512xf32>
    %ge3A_330 = arith.cmpf oge, %floor3A, %ge3A_329 : vector<252x512xf32>
    %le3A = arith.constant 6.300000e+01 : f32
    %le3A_331 = vector.broadcast %le3A : f32 to vector<252x512xf32>
    %le3A_332 = arith.cmpf ole, %floor3A, %le3A_331 : vector<252x512xf32>
    %and3A_333 = arith.andi %ge3A_330, %le3A_332 : vector<252x512xi1>
    %ge3A_334 = arith.constant 0.000000e+00 : f32
    %ge3A_335 = vector.broadcast %ge3A_334 : f32 to vector<252x512xf32>
    %ge3A_336 = arith.cmpf oge, %floor3A_313, %ge3A_335 : vector<252x512xf32>
    %and3A_337 = arith.andi %and3A_333, %ge3A_336 : vector<252x512xi1>
    %le3A_338 = arith.constant 6.300000e+01 : f32
    %le3A_339 = vector.broadcast %le3A_338 : f32 to vector<252x512xf32>
    %le3A_340 = arith.cmpf ole, %floor3A_313, %le3A_339 : vector<252x512xf32>
    %and3A_341 = arith.andi %and3A_337, %le3A_340 : vector<252x512xi1>
    %convert_element_type3A_342 = arith.extui %and3A_341 : vector<252x512xi1> to vector<252x512xi32>
    %convert_element_type3A_343 = arith.sitofp %convert_element_type3A_342 : vector<252x512xi32> to vector<252x512xf32>
    %jit3A = arith.constant 0.000000e+00 : f32
    %jit3A_344 = arith.constant 6.300000e+01 : f32
    %max3A = vector.broadcast %jit3A : f32 to vector<252x512xf32>
    %max3A_345 = arith.maximumf %max3A, %floor3A : vector<252x512xf32>
    %min3A = vector.broadcast %jit3A_344 : f32 to vector<252x512xf32>
    %min3A_346 = arith.minimumf %min3A, %max3A_345 : vector<252x512xf32>
    %convert_element_type3A_347 = arith.fptosi %min3A_346 : vector<252x512xf32> to vector<252x512xi32>
    %jit3A_348 = arith.constant 0.000000e+00 : f32
    %jit3A_349 = arith.constant 6.300000e+01 : f32
    %max3A_350 = vector.broadcast %jit3A_348 : f32 to vector<252x512xf32>
    %max3A_351 = arith.maximumf %max3A_350, %floor3A_313 : vector<252x512xf32>
    %min3A_352 = vector.broadcast %jit3A_349 : f32 to vector<252x512xf32>
    %min3A_353 = arith.minimumf %min3A_352, %max3A_351 : vector<252x512xf32>
    %convert_element_type3A_354 = arith.fptosi %min3A_353 : vector<252x512xf32> to vector<252x512xi32>
    %mul3A_355 = arith.mulf %concatenate3A, %mul3A_328 : vector<252x512xf32>
    %mul3A_356 = arith.mulf %mul3A_355, %convert_element_type3A_343 : vector<252x512xf32>
    %mul3A_357 = arith.constant 64 : i32
    %mul3A_358 = vector.broadcast %mul3A_357 : i32 to vector<252x512xi32>
    %mul3A_359 = arith.muli %convert_element_type3A_354, %mul3A_358 : vector<252x512xi32>
    %add3A_360 = arith.addi %mul3A_359, %convert_element_type3A_347 : vector<252x512xi32>
    %swap3A_361 = arith.constant 0 : index
    %swap3A_362 = arith.constant 0 : index
    %swap3A_363 = vector.load %arg16[%swap3A_361, %swap3A_362] : memref<252x512xf32, #tpu.memory_space<vmem>>, vector<252x512xf32>
    tpu.vector_store %arg16[%swap3A_361, %swap3A_362], %mul3A_356 {strides = array<i32>} : memref<252x512xf32, #tpu.memory_space<vmem>>, vector<252x512xf32>,
    %swap3A_364 = arith.constant 0 : index
    %swap3A_365 = arith.constant 0 : index
    %swap3A_366 = vector.load %arg20[%swap3A_364, %swap3A_365] : memref<252x512xi32, #tpu.memory_space<vmem>>, vector<252x512xi32>
    tpu.vector_store %arg20[%swap3A_364, %swap3A_365], %add3A_360 {strides = array<i32>} : memref<252x512xi32, #tpu.memory_space<vmem>>, vector<252x512xi32>,
    %mul3A_367 = arith.mulf %sub3A_321, %sub3A_314 : vector<252x512xf32>
    %ge3A_368 = arith.constant 0.000000e+00 : f32
    %ge3A_369 = vector.broadcast %ge3A_368 : f32 to vector<252x512xf32>
    %ge3A_370 = arith.cmpf oge, %add3A_324, %ge3A_369 : vector<252x512xf32>
    %le3A_371 = arith.constant 6.300000e+01 : f32
    %le3A_372 = vector.broadcast %le3A_371 : f32 to vector<252x512xf32>
    %le3A_373 = arith.cmpf ole, %add3A_324, %le3A_372 : vector<252x512xf32>
    %and3A_374 = arith.andi %ge3A_370, %le3A_373 : vector<252x512xi1>
    %ge3A_375 = arith.constant 0.000000e+00 : f32
    %ge3A_376 = vector.broadcast %ge3A_375 : f32 to vector<252x512xf32>
    %ge3A_377 = arith.cmpf oge, %floor3A_313, %ge3A_376 : vector<252x512xf32>
    %and3A_378 = arith.andi %and3A_374, %ge3A_377 : vector<252x512xi1>
    %le3A_379 = arith.constant 6.300000e+01 : f32
    %le3A_380 = vector.broadcast %le3A_379 : f32 to vector<252x512xf32>
    %le3A_381 = arith.cmpf ole, %floor3A_313, %le3A_380 : vector<252x512xf32>
    %and3A_382 = arith.andi %and3A_378, %le3A_381 : vector<252x512xi1>
    %convert_element_type3A_383 = arith.extui %and3A_382 : vector<252x512xi1> to vector<252x512xi32>
    %convert_element_type3A_384 = arith.sitofp %convert_element_type3A_383 : vector<252x512xi32> to vector<252x512xf32>
    %jit3A_385 = arith.constant 0.000000e+00 : f32
    %jit3A_386 = arith.constant 6.300000e+01 : f32
    %max3A_387 = vector.broadcast %jit3A_385 : f32 to vector<252x512xf32>
    %max3A_388 = arith.maximumf %max3A_387, %add3A_324 : vector<252x512xf32>
    %min3A_389 = vector.broadcast %jit3A_386 : f32 to vector<252x512xf32>
    %min3A_390 = arith.minimumf %min3A_389, %max3A_388 : vector<252x512xf32>
    %convert_element_type3A_391 = arith.fptosi %min3A_390 : vector<252x512xf32> to vector<252x512xi32>
    %jit3A_392 = arith.constant 0.000000e+00 : f32
    %jit3A_393 = arith.constant 6.300000e+01 : f32
    %max3A_394 = vector.broadcast %jit3A_392 : f32 to vector<252x512xf32>
    %max3A_395 = arith.maximumf %max3A_394, %floor3A_313 : vector<252x512xf32>
    %min3A_396 = vector.broadcast %jit3A_393 : f32 to vector<252x512xf32>
    %min3A_397 = arith.minimumf %min3A_396, %max3A_395 : vector<252x512xf32>
    %convert_element_type3A_398 = arith.fptosi %min3A_397 : vector<252x512xf32> to vector<252x512xi32>
    %mul3A_399 = arith.mulf %concatenate3A, %mul3A_367 : vector<252x512xf32>
    %mul3A_400 = arith.mulf %mul3A_399, %convert_element_type3A_384 : vector<252x512xf32>
    %mul3A_401 = arith.constant 64 : i32
    %mul3A_402 = vector.broadcast %mul3A_401 : i32 to vector<252x512xi32>
    %mul3A_403 = arith.muli %convert_element_type3A_398, %mul3A_402 : vector<252x512xi32>
    %add3A_404 = arith.addi %mul3A_403, %convert_element_type3A_391 : vector<252x512xi32>
    %swap3A_405 = arith.constant 0 : index
    %swap3A_406 = arith.constant 0 : index
    %swap3A_407 = vector.load %arg17[%swap3A_405, %swap3A_406] : memref<252x512xf32, #tpu.memory_space<vmem>>, vector<252x512xf32>
    tpu.vector_store %arg17[%swap3A_405, %swap3A_406], %mul3A_400 {strides = array<i32>} : memref<252x512xf32, #tpu.memory_space<vmem>>, vector<252x512xf32>,
    %swap3A_408 = arith.constant 0 : index
    %swap3A_409 = arith.constant 0 : index
    %swap3A_410 = vector.load %arg21[%swap3A_408, %swap3A_409] : memref<252x512xi32, #tpu.memory_space<vmem>>, vector<252x512xi32>
    tpu.vector_store %arg21[%swap3A_408, %swap3A_409], %add3A_404 {strides = array<i32>} : memref<252x512xi32, #tpu.memory_space<vmem>>, vector<252x512xi32>,
    %mul3A_411 = arith.mulf %sub3A_318, %sub3A_317 : vector<252x512xf32>
    %ge3A_412 = arith.constant 0.000000e+00 : f32
    %ge3A_413 = vector.broadcast %ge3A_412 : f32 to vector<252x512xf32>
    %ge3A_414 = arith.cmpf oge, %floor3A, %ge3A_413 : vector<252x512xf32>
    %le3A_415 = arith.constant 6.300000e+01 : f32
    %le3A_416 = vector.broadcast %le3A_415 : f32 to vector<252x512xf32>
    %le3A_417 = arith.cmpf ole, %floor3A, %le3A_416 : vector<252x512xf32>
    %and3A_418 = arith.andi %ge3A_414, %le3A_417 : vector<252x512xi1>
    %ge3A_419 = arith.constant 0.000000e+00 : f32
    %ge3A_420 = vector.broadcast %ge3A_419 : f32 to vector<252x512xf32>
    %ge3A_421 = arith.cmpf oge, %add3A_327, %ge3A_420 : vector<252x512xf32>
    %and3A_422 = arith.andi %and3A_418, %ge3A_421 : vector<252x512xi1>
    %le3A_423 = arith.constant 6.300000e+01 : f32
    %le3A_424 = vector.broadcast %le3A_423 : f32 to vector<252x512xf32>
    %le3A_425 = arith.cmpf ole, %add3A_327, %le3A_424 : vector<252x512xf32>
    %and3A_426 = arith.andi %and3A_422, %le3A_425 : vector<252x512xi1>
    %convert_element_type3A_427 = arith.extui %and3A_426 : vector<252x512xi1> to vector<252x512xi32>
    %convert_element_type3A_428 = arith.sitofp %convert_element_type3A_427 : vector<252x512xi32> to vector<252x512xf32>
    %jit3A_429 = arith.constant 0.000000e+00 : f32
    %jit3A_430 = arith.constant 6.300000e+01 : f32
    %max3A_431 = vector.broadcast %jit3A_429 : f32 to vector<252x512xf32>
    %max3A_432 = arith.maximumf %max3A_431, %floor3A : vector<252x512xf32>
    %min3A_433 = vector.broadcast %jit3A_430 : f32 to vector<252x512xf32>
    %min3A_434 = arith.minimumf %min3A_433, %max3A_432 : vector<252x512xf32>
    %convert_element_type3A_435 = arith.fptosi %min3A_434 : vector<252x512xf32> to vector<252x512xi32>
    %jit3A_436 = arith.constant 0.000000e+00 : f32
    %jit3A_437 = arith.constant 6.300000e+01 : f32
    %max3A_438 = vector.broadcast %jit3A_436 : f32 to vector<252x512xf32>
    %max3A_439 = arith.maximumf %max3A_438, %add3A_327 : vector<252x512xf32>
    %min3A_440 = vector.broadcast %jit3A_437 : f32 to vector<252x512xf32>
    %min3A_441 = arith.minimumf %min3A_440, %max3A_439 : vector<252x512xf32>
    %convert_element_type3A_442 = arith.fptosi %min3A_441 : vector<252x512xf32> to vector<252x512xi32>
    %mul3A_443 = arith.mulf %concatenate3A, %mul3A_411 : vector<252x512xf32>
    %mul3A_444 = arith.mulf %mul3A_443, %convert_element_type3A_428 : vector<252x512xf32>
    %mul3A_445 = arith.constant 64 : i32
    %mul3A_446 = vector.broadcast %mul3A_445 : i32 to vector<252x512xi32>
    %mul3A_447 = arith.muli %convert_element_type3A_442, %mul3A_446 : vector<252x512xi32>
    %add3A_448 = arith.addi %mul3A_447, %convert_element_type3A_435 : vector<252x512xi32>
    %swap3A_449 = arith.constant 0 : index
    %swap3A_450 = arith.constant 0 : index
    %swap3A_451 = vector.load %arg18[%swap3A_449, %swap3A_450] : memref<252x512xf32, #tpu.memory_space<vmem>>, vector<252x512xf32>
    tpu.vector_store %arg18[%swap3A_449, %swap3A_450], %mul3A_444 {strides = array<i32>} : memref<252x512xf32, #tpu.memory_space<vmem>>, vector<252x512xf32>,
    %swap3A_452 = arith.constant 0 : index
    %swap3A_453 = arith.constant 0 : index
    %swap3A_454 = vector.load %arg22[%swap3A_452, %swap3A_453] : memref<252x512xi32, #tpu.memory_space<vmem>>, vector<252x512xi32>
    tpu.vector_store %arg22[%swap3A_452, %swap3A_453], %add3A_448 {strides = array<i32>} : memref<252x512xi32, #tpu.memory_space<vmem>>, vector<252x512xi32>,
    %mul3A_455 = arith.mulf %sub3A_318, %sub3A_314 : vector<252x512xf32>
    %ge3A_456 = arith.constant 0.000000e+00 : f32
    %ge3A_457 = vector.broadcast %ge3A_456 : f32 to vector<252x512xf32>
    %ge3A_458 = arith.cmpf oge, %add3A_324, %ge3A_457 : vector<252x512xf32>
    %le3A_459 = arith.constant 6.300000e+01 : f32
    %le3A_460 = vector.broadcast %le3A_459 : f32 to vector<252x512xf32>
    %le3A_461 = arith.cmpf ole, %add3A_324, %le3A_460 : vector<252x512xf32>
    %and3A_462 = arith.andi %ge3A_458, %le3A_461 : vector<252x512xi1>
    %ge3A_463 = arith.constant 0.000000e+00 : f32
    %ge3A_464 = vector.broadcast %ge3A_463 : f32 to vector<252x512xf32>
    %ge3A_465 = arith.cmpf oge, %add3A_327, %ge3A_464 : vector<252x512xf32>
    %and3A_466 = arith.andi %and3A_462, %ge3A_465 : vector<252x512xi1>
    %le3A_467 = arith.constant 6.300000e+01 : f32
    %le3A_468 = vector.broadcast %le3A_467 : f32 to vector<252x512xf32>
    %le3A_469 = arith.cmpf ole, %add3A_327, %le3A_468 : vector<252x512xf32>
    %and3A_470 = arith.andi %and3A_466, %le3A_469 : vector<252x512xi1>
    %convert_element_type3A_471 = arith.extui %and3A_470 : vector<252x512xi1> to vector<252x512xi32>
    %convert_element_type3A_472 = arith.sitofp %convert_element_type3A_471 : vector<252x512xi32> to vector<252x512xf32>
    %jit3A_473 = arith.constant 0.000000e+00 : f32
    %jit3A_474 = arith.constant 6.300000e+01 : f32
    %max3A_475 = vector.broadcast %jit3A_473 : f32 to vector<252x512xf32>
    %max3A_476 = arith.maximumf %max3A_475, %add3A_324 : vector<252x512xf32>
    %min3A_477 = vector.broadcast %jit3A_474 : f32 to vector<252x512xf32>
    %min3A_478 = arith.minimumf %min3A_477, %max3A_476 : vector<252x512xf32>
    %convert_element_type3A_479 = arith.fptosi %min3A_478 : vector<252x512xf32> to vector<252x512xi32>
    %jit3A_480 = arith.constant 0.000000e+00 : f32
    %jit3A_481 = arith.constant 6.300000e+01 : f32
    %max3A_482 = vector.broadcast %jit3A_480 : f32 to vector<252x512xf32>
    %max3A_483 = arith.maximumf %max3A_482, %add3A_327 : vector<252x512xf32>
    %min3A_484 = vector.broadcast %jit3A_481 : f32 to vector<252x512xf32>
    %min3A_485 = arith.minimumf %min3A_484, %max3A_483 : vector<252x512xf32>
    %convert_element_type3A_486 = arith.fptosi %min3A_485 : vector<252x512xf32> to vector<252x512xi32>
    %mul3A_487 = arith.mulf %concatenate3A, %mul3A_455 : vector<252x512xf32>
    %mul3A_488 = arith.mulf %mul3A_487, %convert_element_type3A_472 : vector<252x512xf32>
    %mul3A_489 = arith.constant 64 : i32
    %mul3A_490 = vector.broadcast %mul3A_489 : i32 to vector<252x512xi32>
    %mul3A_491 = arith.muli %convert_element_type3A_486, %mul3A_490 : vector<252x512xi32>
    %add3A_492 = arith.addi %mul3A_491, %convert_element_type3A_479 : vector<252x512xi32>
    %swap3A_493 = arith.constant 0 : index
    %swap3A_494 = arith.constant 0 : index
    %swap3A_495 = vector.load %arg19[%swap3A_493, %swap3A_494] : memref<252x512xf32, #tpu.memory_space<vmem>>, vector<252x512xf32>
    tpu.vector_store %arg19[%swap3A_493, %swap3A_494], %mul3A_488 {strides = array<i32>} : memref<252x512xf32, #tpu.memory_space<vmem>>, vector<252x512xf32>,
    %swap3A_496 = arith.constant 0 : index
    %swap3A_497 = arith.constant 0 : index
    %swap3A_498 = vector.load %arg23[%swap3A_496, %swap3A_497] : memref<252x512xi32, #tpu.memory_space<vmem>>, vector<252x512xi32>
    tpu.vector_store %arg23[%swap3A_496, %swap3A_497], %add3A_492 {strides = array<i32>} : memref<252x512xi32, #tpu.memory_space<vmem>>, vector<252x512xi32>,
    return
  }
  func.func @transform_0(%arg0: i32) -> (i32, i32) {
    %c0_i32 = arith.constant 0 : i32
    %c0_i32_0 = arith.constant 0 : i32
    return %c0_i32, %arg0 : i32, i32
  }
  func.func @transform_1(%arg0: i32) -> (i32, i32, i32) {
    %c0_i32 = arith.constant 0 : i32
    %c0_i32_0 = arith.constant 0 : i32
    %c0_i32_1 = arith.constant 0 : i32
    return %c0_i32, %c0_i32_0, %arg0 : i32, i32, i32
  }
  func.func @transform_2(%arg0: i32) -> (i32, i32) {
    %c0_i32 = arith.constant 0 : i32
    %c0_i32_0 = arith.constant 0 : i32
    %c0_i32_1 = arith.constant 0 : i32
    return %c0_i32, %c0_i32_0 : i32, i32
  }
  func.func @transform_3(%arg0: i32) -> (i32, i32) {
    %c0_i32 = arith.constant 0 : i32
    %c0_i32_0 = arith.constant 0 : i32
    %c0_i32_1 = arith.constant 0 : i32
    return %c0_i32, %c0_i32_0 : i32, i32
  }
  func.func @transform_4(%arg0: i32) -> (i32, i32) {
    %c0_i32 = arith.constant 0 : i32
    %c0_i32_0 = arith.constant 0 : i32
    %c0_i32_1 = arith.constant 0 : i32
    return %c0_i32, %c0_i32_0 : i32, i32
  }
  func.func @transform_5(%arg0: i32) -> (i32, i32) {
    %c0_i32 = arith.constant 0 : i32
    %c0_i32_0 = arith.constant 0 : i32
    %c0_i32_1 = arith.constant 0 : i32
    return %c0_i32, %c0_i32_0 : i32, i32
  }
  func.func @transform_6(%arg0: i32) -> (i32, i32) {
    %c0_i32 = arith.constant 0 : i32
    %c0_i32_0 = arith.constant 0 : i32
    %c0_i32_1 = arith.constant 0 : i32
    return %c0_i32, %c0_i32_0 : i32, i32
  }
  func.func @transform_7(%arg0: i32) -> (i32, i32) {
    %c0_i32 = arith.constant 0 : i32
    %c0_i32_0 = arith.constant 0 : i32
    %c0_i32_1 = arith.constant 0 : i32
    return %c0_i32, %c0_i32_0 : i32, i32
  }
  func.func @transform_8(%arg0: i32) -> (i32, i32) {
    %c0_i32 = arith.constant 0 : i32
    %c0_i32_0 = arith.constant 0 : i32
    %c0_i32_1 = arith.constant 0 : i32
    return %c0_i32, %c0_i32_0 : i32, i32
  }
  func.func @transform_9(%arg0: i32) -> (i32, i32) {
    %c0_i32 = arith.constant 0 : i32
    %c0_i32_0 = arith.constant 0 : i32
    %c0_i32_1 = arith.constant 0 : i32
    return %c0_i32, %c0_i32_0 : i32, i32
  }
  func.func @transform_10(%arg0: i32) -> (i32, i32) {
    %c0_i32 = arith.constant 0 : i32
    %c0_i32_0 = arith.constant 0 : i32
    %c0_i32_1 = arith.constant 0 : i32
    return %c0_i32, %c0_i32_0 : i32, i32
  }
  func.func @transform_11(%arg0: i32) -> (i32, i32) {
    %c0_i32 = arith.constant 0 : i32
    %c0_i32_0 = arith.constant 0 : i32
    %c0_i32_1 = arith.constant 0 : i32
    return %c0_i32, %c0_i32_0 : i32, i32
  }
  func.func @transform_12(%arg0: i32) -> (i32, i32) {
    %c0_i32 = arith.constant 0 : i32
    %c0_i32_0 = arith.constant 0 : i32
    %c0_i32_1 = arith.constant 0 : i32
    return %c0_i32, %c0_i32_0 : i32, i32
  }
  func.func @transform_13(%arg0: i32) -> (i32, i32) {
    %c0_i32 = arith.constant 0 : i32
    %c0_i32_0 = arith.constant 0 : i32
    %c0_i32_1 = arith.constant 0 : i32
    return %c0_i32, %c0_i32_0 : i32, i32
  }
  func.func @transform_14(%arg0: i32) -> (i32, i32, i32) {
    %c0_i32 = arith.constant 0 : i32
    %c0_i32_0 = arith.constant 0 : i32
    %c0_i32_1 = arith.constant 0 : i32
    return %c0_i32, %c0_i32_0, %arg0 : i32, i32, i32
  }
  func.func @transform_15(%arg0: i32) -> (i32, i32) {
    %c0_i32 = arith.constant 0 : i32
    %c0_i32_0 = arith.constant 0 : i32
    return %c0_i32, %arg0 : i32, i32
  }
  func.func @transform_16(%arg0: i32) -> (i32, i32) {
    %c0_i32 = arith.constant 0 : i32
    %c0_i32_0 = arith.constant 0 : i32
    return %c0_i32, %arg0 : i32, i32
  }
  func.func @transform_17(%arg0: i32) -> (i32, i32) {
    %c0_i32 = arith.constant 0 : i32
    %c0_i32_0 = arith.constant 0 : i32
    return %c0_i32, %arg0 : i32, i32
  }
  func.func @transform_18(%arg0: i32) -> (i32, i32) {
    %c0_i32 = arith.constant 0 : i32
    %c0_i32_0 = arith.constant 0 : i32
    return %c0_i32, %arg0 : i32, i32
  }
  func.func @transform_19(%arg0: i32) -> (i32, i32) {
    %c0_i32 = arith.constant 0 : i32
    %c0_i32_0 = arith.constant 0 : i32
    return %c0_i32, %arg0 : i32, i32
  }
  func.func @transform_20(%arg0: i32) -> (i32, i32) {
    %c0_i32 = arith.constant 0 : i32
    %c0_i32_0 = arith.constant 0 : i32
    return %c0_i32, %arg0 : i32, i32
  }
  func.func @transform_21(%arg0: i32) -> (i32, i32) {
    %c0_i32 = arith.constant 0 : i32
    %c0_i32_0 = arith.constant 0 : i32
    return %c0_i32, %arg0 : i32, i32
  }
  func.func @transform_22(%arg0: i32) -> (i32, i32) {
    %c0_i32 = arith.constant 0 : i32
    %c0_i32_0 = arith.constant 0 : i32
    return %c0_i32, %arg0 : i32, i32
  }
}

module attributes {stable_mosaic.version = 14 : i64} {
  func.func @_stage_c(%arg0: i32, %arg1: memref<7x96x512xf32, #tpu.memory_space<vmem>>, %arg2: memref<96x512xf32, #tpu.memory_space<vmem>>, %arg3: memref<96x96xf32, #tpu.memory_space<vmem>>, %arg4: memref<96x1xf32, #tpu.memory_space<vmem>>, %arg5: memref<96x512xf32, #tpu.memory_space<vmem>>) attributes {dimension_semantics = [#tpu.dimension_semantics<arbitrary>], iteration_bounds = array<i64: 8>, scalar_prefetch = 0 : i64, scratch_operands = 0 : i64, tpu.core_type = #tpu.core_type<tc>, window_params = [{transform_indices = @transform_0, window_bounds = array<i64: 7, 96, 512>}, {transform_indices = @transform_1, window_bounds = array<i64: 96, 512>}, {pipeline_mode = #tpu.pipeline_mode<synchronous>, transform_indices = @transform_2, window_bounds = array<i64: 96, 96>}, {pipeline_mode = #tpu.pipeline_mode<synchronous>, transform_indices = @transform_3, window_bounds = array<i64: 96, 1>}, {transform_indices = @transform_4, window_bounds = array<i64: 96, 512>}]} {
    %get3A = arith.constant 0 : index
    %get3A_0 = arith.constant 0 : index
    %get3A_1 = arith.constant 0 : index
    %get3A_2 = vector.load %arg1[%get3A, %get3A_0, %get3A_1] : memref<7x96x512xf32, #tpu.memory_space<vmem>>, vector<1x96x512xf32>
    %get3A_3 = vector.shape_cast %get3A_2 : vector<1x96x512xf32> to vector<96x512xf32>
    %get3A_4 = arith.constant 1 : index
    %get3A_5 = arith.constant 0 : index
    %get3A_6 = arith.constant 0 : index
    %get3A_7 = vector.load %arg1[%get3A_4, %get3A_5, %get3A_6] : memref<7x96x512xf32, #tpu.memory_space<vmem>>, vector<1x96x512xf32>
    %get3A_8 = vector.shape_cast %get3A_7 : vector<1x96x512xf32> to vector<96x512xf32>
    %add3A = arith.addf %get3A_3, %get3A_8 : vector<96x512xf32>
    %get3A_9 = arith.constant 2 : index
    %get3A_10 = arith.constant 0 : index
    %get3A_11 = arith.constant 0 : index
    %get3A_12 = vector.load %arg1[%get3A_9, %get3A_10, %get3A_11] : memref<7x96x512xf32, #tpu.memory_space<vmem>>, vector<1x96x512xf32>
    %get3A_13 = vector.shape_cast %get3A_12 : vector<1x96x512xf32> to vector<96x512xf32>
    %add3A_14 = arith.addf %add3A, %get3A_13 : vector<96x512xf32>
    %get3A_15 = arith.constant 3 : index
    %get3A_16 = arith.constant 0 : index
    %get3A_17 = arith.constant 0 : index
    %get3A_18 = vector.load %arg1[%get3A_15, %get3A_16, %get3A_17] : memref<7x96x512xf32, #tpu.memory_space<vmem>>, vector<1x96x512xf32>
    %get3A_19 = vector.shape_cast %get3A_18 : vector<1x96x512xf32> to vector<96x512xf32>
    %add3A_20 = arith.addf %add3A_14, %get3A_19 : vector<96x512xf32>
    %get3A_21 = arith.constant 4 : index
    %get3A_22 = arith.constant 0 : index
    %get3A_23 = arith.constant 0 : index
    %get3A_24 = vector.load %arg1[%get3A_21, %get3A_22, %get3A_23] : memref<7x96x512xf32, #tpu.memory_space<vmem>>, vector<1x96x512xf32>
    %get3A_25 = vector.shape_cast %get3A_24 : vector<1x96x512xf32> to vector<96x512xf32>
    %add3A_26 = arith.addf %add3A_20, %get3A_25 : vector<96x512xf32>
    %get3A_27 = arith.constant 5 : index
    %get3A_28 = arith.constant 0 : index
    %get3A_29 = arith.constant 0 : index
    %get3A_30 = vector.load %arg1[%get3A_27, %get3A_28, %get3A_29] : memref<7x96x512xf32, #tpu.memory_space<vmem>>, vector<1x96x512xf32>
    %get3A_31 = vector.shape_cast %get3A_30 : vector<1x96x512xf32> to vector<96x512xf32>
    %add3A_32 = arith.addf %add3A_26, %get3A_31 : vector<96x512xf32>
    %get3A_33 = arith.constant 6 : index
    %get3A_34 = arith.constant 0 : index
    %get3A_35 = arith.constant 0 : index
    %get3A_36 = vector.load %arg1[%get3A_33, %get3A_34, %get3A_35] : memref<7x96x512xf32, #tpu.memory_space<vmem>>, vector<1x96x512xf32>
    %get3A_37 = vector.shape_cast %get3A_36 : vector<1x96x512xf32> to vector<96x512xf32>
    %add3A_38 = arith.addf %add3A_32, %get3A_37 : vector<96x512xf32>
    %get3A_39 = arith.constant 0 : index
    %get3A_40 = arith.constant 0 : index
    %get3A_41 = vector.load %arg3[%get3A_39, %get3A_40] : memref<96x96xf32, #tpu.memory_space<vmem>>, vector<96x96xf32>
    %dot_general3A = arith.constant dense<0.000000e+00> : vector<96x512xf32>
    %dot_general3A_42 = tpu.matmul %get3A_41, %add3A_38, %dot_general3A {dimension_numbers = #tpu.dot_dimension_numbers<[1], [0], [0], [1], [0, 0, 1, 1], [], []>, transpose_lhs_hint = false} : vector<96x96xf32>, vector<96x512xf32>, vector<96x512xf32> -> vector<96x512xf32>
    %get3A_43 = arith.constant 0 : index
    %get3A_44 = arith.constant 0 : index
    %get3A_45 = vector.load %arg4[%get3A_43, %get3A_44] : memref<96x1xf32, #tpu.memory_space<vmem>>, vector<96x1xf32>
    %add3A_46 = vector.broadcast %get3A_45 : vector<96x1xf32> to vector<96x512xf32>
    %add3A_47 = arith.addf %dot_general3A_42, %add3A_46 : vector<96x512xf32>
    %get3A_48 = arith.constant 0 : index
    %get3A_49 = arith.constant 0 : index
    %get3A_50 = vector.load %arg2[%get3A_48, %get3A_49] : memref<96x512xf32, #tpu.memory_space<vmem>>, vector<96x512xf32>
    %add3A_51 = arith.addf %add3A_47, %get3A_50 : vector<96x512xf32>
    %swap3A = arith.constant 0 : index
    %swap3A_52 = arith.constant 0 : index
    %swap3A_53 = vector.load %arg5[%swap3A, %swap3A_52] : memref<96x512xf32, #tpu.memory_space<vmem>>, vector<96x512xf32>
    tpu.vector_store %arg5[%swap3A, %swap3A_52], %add3A_51 {strides = array<i32>} : memref<96x512xf32, #tpu.memory_space<vmem>>, vector<96x512xf32>,
    return
  }
  func.func @transform_0(%arg0: i32) -> (i32, i32, i32) {
    %c0_i32 = arith.constant 0 : i32
    %c0_i32_0 = arith.constant 0 : i32
    %c0_i32_1 = arith.constant 0 : i32
    return %c0_i32, %c0_i32_0, %arg0 : i32, i32, i32
  }
  func.func @transform_1(%arg0: i32) -> (i32, i32) {
    %c0_i32 = arith.constant 0 : i32
    %c0_i32_0 = arith.constant 0 : i32
    return %c0_i32, %arg0 : i32, i32
  }
  func.func @transform_2(%arg0: i32) -> (i32, i32) {
    %c0_i32 = arith.constant 0 : i32
    %c0_i32_0 = arith.constant 0 : i32
    %c0_i32_1 = arith.constant 0 : i32
    return %c0_i32, %c0_i32_0 : i32, i32
  }
  func.func @transform_3(%arg0: i32) -> (i32, i32) {
    %c0_i32 = arith.constant 0 : i32
    %c0_i32_0 = arith.constant 0 : i32
    %c0_i32_1 = arith.constant 0 : i32
    return %c0_i32, %c0_i32_0 : i32, i32
  }
  func.func @transform_4(%arg0: i32) -> (i32, i32) {
    %c0_i32 = arith.constant 0 : i32
    %c0_i32_0 = arith.constant 0 : i32
    return %c0_i32, %arg0 : i32, i32
  }
}

</mosaic_0001>

<sc_bundles>
// kernel: kernel.5.cloned.1.call-start
scs
__scs_entry_jumppad:
0x0: {  	(pc) =	sbr.rel $0x88, $3  }
0x1: {  	(tag) =	ssettag $0x0;
	lr =	simm.s32 $0x1  }
0x2: {  	[smem:$0x3F93] =	sst lr;
	_ =	strace $0xD0000000  }
0x3: {  	_ = 	snop  }
0x4: {  	_ = 	snop  }
0x5: {  	_ = 	snop  }
0x6: {  	_ = 	snop  }
0x7: {  	_ = 	snop  }
__scs_overlays_trampoline_lowered:
0x8: {  	[smem:$0x3FA2] =	sst s0  }
0x9: {  	[smem:$0x3FA3] =	sst s1  }
0xa: {  	[smem:$0x3FA4] =	sst s2  }
0xb: {  	[smem:$0x3FA5] =	sst s3  }
0xc: {  	[smem:$0x3FA6] =	sst s4  }
0xd: {  	[smem:$0x3FA7] =	sst s5  }
0xe: {  	[smem:$0x3FA8] =	sst s6  }
0xf: {  	[smem:$0x3FA9] =	sst s7  }
0x10: {  	[smem:$0x3FAA] =	sst s8  }
0x11: {  	[smem:$0x3FAB] =	sst s9;
	s0 =	simm.s32 @!p0 $0x0  }
0x12: {  	s1 =	sld [smem:$0x3F91];
	s0 =	simm.s32 @p0 $0x1  }
0x13: {  	[smem:$0x3FAC] =	sst s0;
	s0 =	simm.s32 @!p1 $0x0  }
0x14: {  	s2 =	sld [smem:$0x3F90];
	s0 =	simm.s32 @p1 $0x1  }
0x15: {  	[smem:$0x3FAD] =	sst s0;
	s0 =	simm.s32 @!p2 $0x0  }
0x16: {  	s3 =	sld [smem:$0x3FDB];
	s0 =	simm.s32 @p2 $0x1  }
0x17: {  	s4 =	simm.s32 $0x1BF5;
	[smem:$0x3FAF] =	sst s0  }
0x18: {  	s0 =	sld [smem:$0x3F92];
	_ =	swait.ge [sflag:s4], $0x0  }
0x19: {  	s7 =	sld [smem:$0x3F93]  }
0x1a: {  	s8 =	sadd.s32 $0xFFFFE003, lr  }
0x1b: {  	s9 =	sadd.s32 $0xFFFFFEF7, lr;
	s5 =	simm.s32 $0xFFFFFFFF;
	p2 =	slt.u32 s8, $0xFFFFF086  }
0x1c: {  	p1 =	slt.u32 s9, $0xF7A;
	s5 =	simm.s32 @!p2 $0x0  }
0x1d: {  	s5 =	simm.s32 @p1 $0x1;
	p0 =	seq.s32 s7, s2  }
0x1e: {  	s7 =	smul.u32 @!p0 $0xF7A, s2;
	p2 =	seq.s32 @!p0 s5, $0x0  }
0x1f: {  	s9 =	smul.u32 $0xF7A, s1;
	s8 =	simm.s32 @!p0 $0x1BF5;
	p2 =	por !p2, p0  }
0x20: {  	[sflag:s8] =	ssyncset.s32 @!p0 $0xFFFFF086;
	s6 =	sadd.s32 @!p0 s3, s7;
	s7 =	simm.s32 @!p0 $0x108  }
0x21: {  	s3 =	sadd.s32 s3, s9;
	s6 =	sadd.s32 @!p0 $0x88, s6;
	s7 =	simm.s32 @p2 $0x1082  }
0x22: {  	[simem:s7], [sflag:s8] =	dma.local @!p0 [hbm:s6], $0xF7A  }
0x23: {  	s9 =	sor.u32 $0xD0000000, s2;
	s6 =	simm.s32 $0x108;
	_ =	swait.ge @!p0 [sflag:s8], $0x0  }
0x24: {  	s3 =	sadd.s32 $0x88, s3;
	s6 =	simm.s32 @!p1 $0x1082;
	[sflag:s4] =	ssyncset.s32 $0xFFFFF086  }
0x25: {  	[simem:s6], [sflag:s4] =	dma.local [hbm:s3], $0xF7A  }
0x26: {  	[smem:$0x3F93] =	sst s1;
	(tag) =	ssettag s2;
	_ =	strace s9  }
0x27: {  	s1 =	sld [smem:$0x3FA3]  }
0x28: {  	s2 =	sld [smem:$0x3FA4]  }
0x29: {  	s4 =	sld [smem:$0x3FA6]  }
0x2a: {  	p0 =	seq.s32 s5, $0x0;
	s5 =	sld [smem:$0x3FA7]  }
0x2b: {  	s6 =	sld [smem:$0x3FA8]  }
0x2c: {  	s7 =	sld [smem:$0x3FA9]  }
0x2d: {  	s3 =	simm.s32 $0x108;
	s8 =	sld [smem:$0x3FAA]  }
0x2e: {  	s3 =	simm.s32 @!p0 $0x1082;
	s9 =	sld [smem:$0x3FAB]  }
0x2f: {  	lr =	sadd.s32 s0, s3;
	s0 =	sld [smem:$0x3FA2]  }
0x30: {  	s3 =	sld [smem:$0x3FA5]  }
0x31: {  	[smem:$0x3FAE] =	sst s10  }
0x32: {  	s10 =	sld [smem:$0x3FAC];
	_ =	sdelay $0x3  }
0x33: {  	p0 =	seq.s32 s10, $0x1;
	s10 =	sld [smem:$0x3FAE];
	_ =	sdelay $0x3  }
0x34: {  	[smem:$0x3FAE] =	sst s10  }
0x35: {  	s10 =	sld [smem:$0x3FAD];
	_ =	sdelay $0x3  }
0x36: {  	p1 =	seq.s32 s10, $0x1;
	s10 =	sld [smem:$0x3FAE];
	_ =	sdelay $0x3  }
0x37: {  	[smem:$0x3FAE] =	sst s10  }
0x38: {  	s10 =	sld [smem:$0x3FAF]  }
0x39: {  	_ = 	snop;
	(pc) =	sbr.ind lr, $3  }
0x3a: {  	_ = 	snop  }
0x3b: {  	_ = 	snop  }
0x3c: {  	p2 =	seq.s32 s10, $0x1;
	s10 =	sld [smem:$0x3FAE]  }
0x3d: {  	_ =	shalt  }
0x3e: {  	_ =	shalt  }
0x3f: {  	_ =	shalt  }
0x40: {  	_ =	shalt  }
0x41: {  	_ =	shalt  }
0x42: {  	_ =	shalt  }
0x43: {  	_ =	shalt  }
0x44: {  	_ =	shalt  }
0x45: {  	_ =	shalt  }
0x46: {  	_ =	shalt  }
0x47: {  	_ =	shalt  }
0x48: {  	_ =	shalt  }
0x49: {  	_ =	shalt  }
0x4a: {  	_ =	shalt  }
0x4b: {  	_ =	shalt  }
0x4c: {  	_ =	shalt  }
0x4d: {  	_ =	shalt  }
0x4e: {  	_ =	shalt  }
0x4f: {  	_ =	shalt  }
0x50: {  	_ =	shalt  }
0x51: {  	_ =	shalt  }
0x52: {  	_ =	shalt  }
0x53: {  	_ =	shalt  }
0x54: {  	_ =	shalt  }
0x55: {  	_ =	shalt  }
0x56: {  	_ =	shalt  }
0x57: {  	_ =	shalt  }
0x58: {  	_ =	shalt  }
0x59: {  	_ =	shalt  }
0x5a: {  	_ =	shalt  }
0x5b: {  	_ =	shalt  }
0x5c: {  	_ =	shalt  }
0x5d: {  	_ =	shalt  }
0x5e: {  	_ =	shalt  }
0x5f: {  	_ =	shalt  }
0x60: {  	_ =	shalt  }
0x61: {  	_ =	shalt  }
0x62: {  	_ =	shalt  }
0x63: {  	_ =	shalt  }
0x64: {  	_ =	shalt  }
0x65: {  	_ =	shalt  }
0x66: {  	_ =	shalt  }
0x67: {  	_ =	shalt  }
0x68: {  	_ =	shalt  }
0x69: {  	_ =	shalt  }
0x6a: {  	_ =	shalt  }
0x6b: {  	_ =	shalt  }
0x6c: {  	_ =	shalt  }
0x6d: {  	_ =	shalt  }
0x6e: {  	_ =	shalt  }
0x6f: {  	_ =	shalt  }
0x70: {  	_ =	shalt  }
0x71: {  	_ =	shalt  }
0x72: {  	_ =	shalt  }
0x73: {  	_ =	shalt  }
0x74: {  	_ =	shalt  }
0x75: {  	_ =	shalt  }
0x76: {  	_ =	shalt  }
0x77: {  	_ =	shalt  }
0x78: {  	_ =	shalt  }
0x79: {  	_ =	shalt  }
0x7a: {  	_ =	shalt  }
0x7b: {  	_ =	shalt  }
0x7c: {  	_ =	shalt  }
0x7d: {  	_ =	shalt  }
0x7e: {  	_ =	shalt  }
0x7f: {  	_ =	shalt  }
0x80: {  	_ =	shalt  }
0x81: {  	_ =	shalt  }
0x82: {  	_ =	shalt  }
0x83: {  	_ =	shalt  }
0x84: {  	_ =	shalt  }
0x85: {  	_ =	shalt  }
0x86: {  	_ =	shalt  }
0x87: {  	_ =	shalt  }
.Lfunc_end0:
.L_simem_size_0:
called_computation_lowered:
.L_overlay_start_0:
0x88: {  	s2 =	sld [smem:$0x3FD9]  }
0x89: {  	s3 =	sld [smem:$0x3FFE];
	_ =	sdelay $0x1  }
0x8a: {  	s1 =	srdreg.scid  }
0x8b: {  	s0 =	sand.u32 $0x1, s1  }
0x8c: {  	s16 =	sshll.u32 s0, $0xA;
	s2 =	sadd.s32 s3, s2  }
0x8d: {  	s2 =	sadd.s32 s2, s16  }
0x8e: {  	[smem:$0x3FBA] =	sst s2  }
0x8f: {  	_ = 	snop  }
0x90: {  	(tm) =	ssettm $0x1  }
0x91: {  	s17 =	sld [smem:$0x3FFB];
	_ =	sdelay $0x3  }
0x92: {  	_ =	strace s17  }
0x93: {  	s2 =	sld [smem:$0x3FFC];
	_ =	sdelay $0x3  }
0x94: {  	_ =	strace s2  }
0x95: {  	s2 =	sld [smem:$0x3FFD];
	_ =	sdelay $0x3  }
0x96: {  	_ =	strace s2  }
0x97: {  	_ =	strace $0x8FFFFFFF  }
0x98: {  	s18 =	sld [smem:$0x3FDB];
	_ =	sdelay $0x1  }
0x99: {  	s19 =	simm.s32 $_scs_section_size  }
0x9a: {  	s4 =	simm.s32 $_size__tile_overlayer_lowered;
	s5 =	simm.s32 $_tile_overlayer_lowered  }
0x9b: {  	s22 =	simm.s32 $0x1BFF;
	s21 =	sshll.u32 s5, $0x1;
	s2 =	sadd.s32 s19, s18  }
0x9c: {  	s6 =	simm.s32 $0x0;
	s20 =	sshll.u32 s4, $0x1;
	s4 =	sadd.s32 s21, s2  }
0x9d: {  	[timem:s6], [sflag:s22] =	dma.local [hbm:s4], s20  }
0x9e: {  	_ =	swait.ge [sflag:s22], s20  }
0x9f: {  	s3 =	ssub.s32 $0x0, s20;
	[sflag:s22] =	ssyncset.done $0x0  }
0xa0: {  	[sflag:s22] =	ssyncadd.s32 s3;
	_ =	sdelay $0x1  }
0xa1: {  	s23 =	simm.s32 $0x1B8B  }
0xa2: {  	_ =	swait.ge [sflag:s23], $0x1  }
0xa3: {  	[sflag:s23] =	ssyncset.done $0x0  }
0xa4: {  	s25 =	simm.s32 $0x1B8E;
	s24 =	sld [smem:$0x3FFE];
	[sflag:s23] =	ssyncadd.s32 $0xFFFFFFFF  }
0xa5: {  	s26 =	simm.s32 $execute0_lowered;
	[smem:$0x3FD2] =	sst s25  }
0xa6: {  	s4 =	sshll.u32 s26, $0x1;
	_ =	strace $0x80000046;
	[dreg:$0x1] =	wrdreg $0xFFFFFFFF  }
0xa7: {  	s28 =	simm.s32 $_size_execute0_lowered;
	s2 =	sadd.s32 s2, s4;
	[dreg:$0x0] =	wrdreg $0x0  }
0xa8: {  	s4 =	sshll.u32 s28, $0x1;
	[dreg:$0x2] =	wrdreg s2  }
0xa9: {  	[dreg:$0x3] =	wrdreg s4  }
0xaa: {  	[dreg:$0x4] =	wrdreg $0xC0  }
0xab: {  	_ =	task [dreg:s6], $0x5FFFF  }
0xac: {  	[dreg:$0x1] =	wrdreg $0xFFFFFFFF  }
0xad: {  	[dreg:$0x0] =	wrdreg $0x60  }
0xae: {  	[dreg:$0x2] =	wrdreg s24  }
0xaf: {  	[dreg:$0x3] =	wrdreg $0x9  }
0xb0: {  	_ =	task.clear_ibuf [dreg:s6], $0x4FFFF;
	_ =	strace $0x90000046  }
0xb1: {  	s29 =	simm.s32 $0x9;
	_ =	strace $0x80000048  }
0xb2: {  	_ =	swait.ge [sflag:s29], $0x1  }
0xb3: {  	[sflag:s29] =	ssyncadd.s32 $0xFFFFFFFF  }
0xb4: {  	_ =	strace $0x90000048  }
0xb5: {  	_ =	sfence  }
0xb6: {  	s30 =	sld [smem:$0x0];
	_ =	sdelay $0x2  }
0xb7: {  	s31 =	sshll.u32 s1, $0xD;
	s1 =	sshrl.u32 s1, $0x2  }
0xb8: {  	s3 =	sand.u32 $0x4000, s31;
	s1 =	sadd.s32 s1, s30  }
0xb9: {  	s0 =	sor.u32 s3, s0;
	s1 =	sshll.u32 s1, $0x11  }
0xba: {  	s0 =	sor.u32 s1, s0  }
0xbb: {  	s0 =	sadd.s32 $0x8F2B, s0  }
0xbc: {  	[sflag:s0] =	ssyncadd.remote.s32 $0x1  }
0xbd: {  	_ =	sfence.sel $0xFFFF  }
0xbe: {  	[dreg:$0x0] =	wrdreg $0xFFFFFFFF;
	(pc) =	sbr.abs _section_cstart, $3  }
0xbf: {  	[dreg:$0x1] =	wrdreg $0xFFFFFFFF  }
0xc0: {  	_ =	task.clear_ibuf [dreg:s6], $0x2FFFF;
	_ =	strace $0x9FFFFFFF  }
0xc1: {  	(tm) =	ssettm $0x7FFFFFFF  }
tec
execute0_lowered:
.L_overlay_start_1:
0x0: {  	(tag) =	ssettag $0x1  }
0x1: {  	s1 =	stileid.u32  }
0x2: {  	p0 =	sgt.u32 s1, $0xD  }
.Ltmp0:
0x3: {  	_ = 	snop;
	(pc) =	sbr.rel @p0 .LBB2_13-.Ltmp0, $4  }
0x4: {  	_ = 	snop  }
0x5: {  	s2 =	simm.s32 $0x0  }
0x6: {  	[smem:$0x7FF] =	sst s2  }
0x7: {  	s0 =	rddreg [dreg:$0x0];
	_ =	strace $0x80000047  }
0x8: {  	s1 =	srdreg.scid;
	s3 =	stileid.u32  }
0x9: {  	s1 =	sand.u32 $0x1, s1;
	s3 =	sshll.u32 s3, $0x1  }
0xa: {  	s4 =	sor.u32 s1, s3  }
0xb: {  	s6 =	sadd.s32 $0xD4600, s0;
	s3 =	smul.u32 $0x25, s4  }
0xc: {  	s7 =	sadd.s32 $0xB4E00, s0;
	s8 =	sadd.s32 $0x95600, s0;
	s10 =	sadd.s32 $0x56600, s0  }
0xd: {  	s16 =	sadd.s32 $0x2600, s0;
	s17 =	simm.s32 $0x100;
	s9 =	sshrl.u32 s3, $0x8  }
0xe: {  	s18 =	simm.s32 $0x1000;
	s26 =	ssub.s32 $0x2, s1;
	s5 =	smul.u32 $0xFFFFFFF9, s9  }
0xf: {  	s28 =	simm.s32 $0x1C800;
	s30 =	sshrl.u32 s26, $0x1;
	s13 =	smul.u32 $0x18000, s9  }
0x10: {  	s3 =	sadd.s32 $0x132E00, s0;
	s14 =	smul.u32 $0x3F, s9;
	s11 =	sadd.s32 s4, s5  }
0x11: {  	s9 =	sadd.s32 $0x75E00, s0;
	s4 =	sadd.s32 $0x113600, s0;
	s12 =	smul.u32 $0x60000, s11  }
0x12: {  	s5 =	sadd.s32 $0xF3E00, s0;
	s15 =	smul.u32 $0x9, s11;
	s11 =	sadd.s32 $0x152600, s0  }
0x13: {  	s0 =	ssub.s32 s26, s30;
	s26 =	simm.s32 $0x1BF00;
	s12 =	sadd.s32 s13, s12  }
0x14: {  	s0 =	smax.u32 s0, $0x1;
	s29 =	sadd.s32 s14, s15;
	s31 =	sshrl.u32 s12, $0x3  }
0x15: {  	[dreg:$0x3] =	wrdreg s0;
	s13 =	sshll.u32 s29, $0xC;
	s1 =	sadd.s32 s16, s31  }
0x16: {  	v0 =	vimm.f32 $0.0e+00;
	s16 =	simm.s32 $0x1;
	[dreg:$0x2] =	wrdreg s1;
	s1 =	simm.s32 $0x0  }
.LBB2_2:
0x17: {  	[dreg:$0x4] =	wrdreg s1  }
0x18: {  	s30 =	simm.s32 $0x0;
	s0 =	rddreg [dreg:$0x2]  }
0x19: {  	[tilespmem:s30], [sflag:$0x1] =	stream.linear.gather [hbm4b:s0+s30], $0x18000, $0x38;
	[tilespmem:$0x1E000] =	vst v63  }
0x1a: {  	_ =	swait.ge [sflag:s16], $0x18000  }
0x1b: {  	[sflag:s16] =	ssyncset.done $0x0  }
0x1c: {  	[sflag:s16] =	ssyncadd.s32 $0xFFFE8000  }
.LBB2_3:
0x1d: {  	s31 =	sshll.u32 s30, $0x8  }
0x1e: {  	s0 =	sadd.s32 s13, s31  }
0x1f: {  	s0 =	sshrl.u32 s0, $0x3  }
0x20: {  	s14 =	simm.s32 $0x18000;
	s1 =	sadd.s32 s3, s0  }
0x21: {  	[tilespmem:s14], [sflag:$0x1] =	stream.strided.gather [hbm4b:s1+s17], $0x900, s18, s17, $0x38;
	[tilespmem:$0x1E000] =	vst v63  }
0x22: {  	_ =	swait.ge [sflag:s16], $0x900  }
0x23: {  	[sflag:s16] =	ssyncset.done $0x0  }
0x24: {  	s29 =	simm.s32 $0x1A400;
	s25 =	sadd.s32 s7, s0;
	[sflag:s16] =	ssyncadd.s32 $0xFFFFF700  }
0x25: {  	[tilespmem:s29], [sflag:$0x1] =	stream.strided.gather [hbm4b:s25+s17], $0x900, s18, s17, $0x38;
	[tilespmem:$0x1E000] =	vst v63  }
0x26: {  	_ =	swait.ge [sflag:s16], $0x900  }
0x27: {  	[sflag:s16] =	ssyncset.done $0x0  }
0x28: {  	s15 =	simm.s32 $0x18900;
	s14 =	sadd.s32 s4, s0;
	[sflag:s16] =	ssyncadd.s32 $0xFFFFF700  }
0x29: {  	[tilespmem:s15], [sflag:$0x1] =	stream.strided.gather [hbm4b:s14+s17], $0x900, s18, s17, $0x38;
	[tilespmem:$0x1E000] =	vst v63  }
0x2a: {  	_ =	swait.ge [sflag:s16], $0x900  }
0x2b: {  	[sflag:s16] =	ssyncset.done $0x0  }
0x2c: {  	s20 =	simm.s32 $0x1AD00;
	s19 =	sadd.s32 s8, s0;
	[sflag:s16] =	ssyncadd.s32 $0xFFFFF700  }
0x2d: {  	[tilespmem:s20], [sflag:$0x1] =	stream.strided.gather [hbm4b:s19+s17], $0x900, s18, s17, $0x38;
	[tilespmem:$0x1E000] =	vst v63  }
0x2e: {  	_ =	swait.ge [sflag:s16], $0x900  }
0x2f: {  	[sflag:s16] =	ssyncset.done $0x0  }
0x30: {  	s22 =	simm.s32 $0x19200;
	s21 =	sadd.s32 s5, s0;
	[sflag:s16] =	ssyncadd.s32 $0xFFFFF700  }
0x31: {  	[tilespmem:s22], [sflag:$0x1] =	stream.strided.gather [hbm4b:s21+s17], $0x900, s18, s17, $0x38;
	[tilespmem:$0x1E000] =	vst v63  }
0x32: {  	_ =	swait.ge [sflag:s16], $0x900  }
0x33: {  	[sflag:s16] =	ssyncset.done $0x0  }
0x34: {  	s24 =	simm.s32 $0x1B600;
	s23 =	sadd.s32 s9, s0;
	[sflag:s16] =	ssyncadd.s32 $0xFFFFF700  }
0x35: {  	[tilespmem:s24], [sflag:$0x1] =	stream.strided.gather [hbm4b:s23+s17], $0x900, s18, s17, $0x38;
	[tilespmem:$0x1E000] =	vst v63  }
0x36: {  	_ =	swait.ge [sflag:s16], $0x900  }
0x37: {  	[sflag:s16] =	ssyncset.done $0x0  }
0x38: {  	s25 =	sadd.s32 s6, s0;
	s29 =	simm.s32 $0x19B00;
	[sflag:s16] =	ssyncadd.s32 $0xFFFFF700  }
0x39: {  	[tilespmem:s29], [sflag:$0x1] =	stream.strided.gather [hbm4b:s25+s17], $0x900, s18, s17, $0x38;
	[tilespmem:$0x1E000] =	vst v63  }
0x3a: {  	_ =	swait.ge [sflag:s16], $0x900  }
0x3b: {  	[sflag:s16] =	ssyncset.done $0x0  }
0x3c: {  	s0 =	sadd.s32 s10, s0;
	[sflag:s16] =	ssyncadd.s32 $0xFFFFF700  }
0x3d: {  	[tilespmem:s26], [sflag:$0x1] =	stream.strided.gather [hbm4b:s0+s17], $0x900, s18, s17, $0x38;
	[tilespmem:$0x1E000] =	vst v63  }
0x3e: {  	_ =	swait.ge [sflag:s16], $0x900  }
0x3f: {  	[sflag:s16] =	ssyncset.done $0x0  }
0x40: {  	s0 =	simm.s32 $0x0;
	[sflag:s16] =	ssyncadd.s32 $0xFFFFF700  }
.LBB2_4:
0x41: {  	p0 =	sne.s32 s0, $0x17F0  }
.Ltmp1:
0x42: {  	_ = 	snop;
	(pc) =	sbr.rel @p0 .LBB2_4-.Ltmp1, $3  }
0x43: {  	_ =	sdelay $0x1  }
0x44: {  	s1 =	sand.u32 $0x1FF0, s0  }
0x45: {  	s0 =	sadd.s32 $0x10, s0;
	[tilespmem:s1+$0x1C800] =	vst v0  }
0x46: {  	s0 =	simm.s32 $0x0;
	s15 =	simm.s32 $0x1CF00  }
.LBB2_6:
0x47: {  	s1 =	sshll.u32 s0, $0x4  }
0x48: {  	s14 =	simm.s32 $0x0;
	v1 =	vmov s1  }
.LBB2_7:
0x49: {  	_ =	sdelay $0x2  }
0x4a: {  	s1 =	sshll.u32 s14, $0x8  }
0x4b: {  	v2 =	vld.idx.msk [tilespmem:v1+s1+$0x1A400 ss:$0x1], $0xffff;
	_ =	sdelay $0x3  }
0x4c: {  	s19 =	simm.s32 $0x0  }
0x4d: {  	v4 =	vadd.s32 s19, v2;
	_ =	sdelay $0x3  }
0x4e: {  	v3 =	vld.idx.msk [tilespmem:v1+s1+$0x18000 ss:$0x1], $0xffff  }
0x4f: {  	v4 =	vld.idx.msk [tilespmem:v4+s2+$0x0], $0xffff;
	_ =	sdelay $0x1  }
0x50: {  	s19 =	simm.s32 $0x1000  }
0x51: {  	v5 =	vadd.s32 s19, v2;
	_ =	sdelay $0x1  }
0x52: {  	v4 =	vmul.f32 v4, v3;
	_ =	sdelay $0x1  }
0x53: {  	[tilespmem:s15+$0xFFFFF900] =	vst.add.f32.msk $0xffff, v4  }
0x54: {  	v4 =	vld.idx.msk [tilespmem:v5+s2+$0x0], $0xffff;
	_ =	sdelay $0x1  }
0x55: {  	s20 =	simm.s32 $0x2000  }
0x56: {  	v5 =	vadd.s32 s20, v2;
	_ =	sdelay $0x1  }
0x57: {  	v4 =	vmul.f32 v4, v3;
	_ =	sdelay $0x1  }
0x58: {  	[tilespmem:s15+$0xFFFFFA00] =	vst.add.f32.msk $0xffff, v4  }
0x59: {  	v4 =	vld.idx.msk [tilespmem:v5+s2+$0x0], $0xffff;
	_ =	sdelay $0x1  }
0x5a: {  	s21 =	simm.s32 $0x3000  }
0x5b: {  	v5 =	vadd.s32 s21, v2;
	_ =	sdelay $0x1  }
0x5c: {  	v4 =	vmul.f32 v4, v3;
	_ =	sdelay $0x1  }
0x5d: {  	[tilespmem:s15+$0xFFFFFB00] =	vst.add.f32.msk $0xffff, v4  }
0x5e: {  	v4 =	vld.idx.msk [tilespmem:v5+s2+$0x0], $0xffff;
	_ =	sdelay $0x1  }
0x5f: {  	s22 =	simm.s32 $0x4000  }
0x60: {  	v5 =	vadd.s32 s22, v2;
	_ =	sdelay $0x1  }
0x61: {  	v4 =	vmul.f32 v4, v3;
	_ =	sdelay $0x1  }
0x62: {  	[tilespmem:s15+$0xFFFFFC00] =	vst.add.f32.msk $0xffff, v4  }
0x63: {  	v4 =	vld.idx.msk [tilespmem:v5+s2+$0x0], $0xffff;
	_ =	sdelay $0x1  }
0x64: {  	s23 =	simm.s32 $0x5000  }
0x65: {  	v5 =	vadd.s32 s23, v2;
	_ =	sdelay $0x1  }
0x66: {  	v4 =	vmul.f32 v4, v3;
	_ =	sdelay $0x1  }
0x67: {  	[tilespmem:s15+$0xFFFFFD00] =	vst.add.f32.msk $0xffff, v4  }
0x68: {  	v4 =	vld.idx.msk [tilespmem:v5+s2+$0x0], $0xffff;
	_ =	sdelay $0x1  }
0x69: {  	s24 =	simm.s32 $0x6000  }
0x6a: {  	v5 =	vadd.s32 s24, v2;
	_ =	sdelay $0x1  }
0x6b: {  	v4 =	vmul.f32 v4, v3;
	_ =	sdelay $0x1  }
0x6c: {  	[tilespmem:s15+$0xFFFFFE00] =	vst.add.f32.msk $0xffff, v4  }
0x6d: {  	v4 =	vld.idx.msk [tilespmem:v5+s2+$0x0], $0xffff;
	_ =	sdelay $0x1  }
0x6e: {  	s25 =	simm.s32 $0x7000  }
0x6f: {  	v5 =	vadd.s32 s25, v2;
	_ =	sdelay $0x1  }
0x70: {  	v4 =	vmul.f32 v4, v3;
	_ =	sdelay $0x1  }
0x71: {  	[tilespmem:s15+$0xFFFFFF00] =	vst.add.f32.msk $0xffff, v4  }
0x72: {  	v4 =	vld.idx.msk [tilespmem:v5+s2+$0x0], $0xffff;
	_ =	sdelay $0x4  }
0x73: {  	s29 =	simm.s32 $0x8;
	s1 =	smov.u32 s15;
	v4 =	vmul.f32 v4, v3  }
.LBB2_8:
0x74: {  	p0 =	slt.u32 s29, $0x10  }
0x75: {  	s19 =	smov.u32 s29;
	s29 =	sadd.s32 $0x8, s29;
	[tilespmem:s1+$0x0] =	vst.add.f32.msk $0xffff, v4;
	s1 =	sadd.s32 $0x800, s1  }
0x76: {  	s19 =	sshll.u32 s19, $0xC  }
0x77: {  	v4 =	vadd.s32 s19, v2;
	s22 =	sadd.s32 $0x1000, s19;
	s23 =	sadd.s32 $0x2000, s19;
	s24 =	sadd.s32 $0x3000, s19  }
0x78: {  	s25 =	sadd.s32 $0x4000, s19;
	s21 =	sadd.s32 $0x5000, s19;
	s20 =	sadd.s32 $0x6000, s19  }
0x79: {  	s19 =	sadd.s32 $0x7000, s19;
	_ =	sdelay $0x2  }
0x7a: {  	v4 =	vld.idx.msk [tilespmem:v4+s2+$0x0], $0xffff;
	_ =	sdelay $0x3  }
0x7b: {  	v5 =	vadd.s32 s22, v2;
	_ =	sdelay $0x1  }
0x7c: {  	v4 =	vmul.f32 v4, v3;
	_ =	sdelay $0x1  }
0x7d: {  	[tilespmem:s1+$0xFFFFF900] =	vst.add.f32.msk $0xffff, v4  }
0x7e: {  	v4 =	vld.idx.msk [tilespmem:v5+s2+$0x0], $0xffff;
	_ =	sdelay $0x3  }
0x7f: {  	v5 =	vadd.s32 s23, v2;
	_ =	sdelay $0x1  }
0x80: {  	v4 =	vmul.f32 v4, v3;
	_ =	sdelay $0x1  }
0x81: {  	[tilespmem:s1+$0xFFFFFA00] =	vst.add.f32.msk $0xffff, v4  }
0x82: {  	v4 =	vld.idx.msk [tilespmem:v5+s2+$0x0], $0xffff;
	_ =	sdelay $0x3  }
0x83: {  	v5 =	vadd.s32 s24, v2;
	_ =	sdelay $0x1  }
0x84: {  	v4 =	vmul.f32 v4, v3;
	_ =	sdelay $0x1  }
0x85: {  	[tilespmem:s1+$0xFFFFFB00] =	vst.add.f32.msk $0xffff, v4  }
0x86: {  	v4 =	vld.idx.msk [tilespmem:v5+s2+$0x0], $0xffff;
	_ =	sdelay $0x3  }
0x87: {  	v5 =	vadd.s32 s25, v2;
	_ =	sdelay $0x1  }
0x88: {  	v4 =	vmul.f32 v4, v3;
	_ =	sdelay $0x1  }
0x89: {  	[tilespmem:s1+$0xFFFFFC00] =	vst.add.f32.msk $0xffff, v4  }
0x8a: {  	v4 =	vld.idx.msk [tilespmem:v5+s2+$0x0], $0xffff;
	_ =	sdelay $0x3  }
0x8b: {  	v5 =	vadd.s32 s21, v2;
	_ =	sdelay $0x1  }
0x8c: {  	v4 =	vmul.f32 v4, v3;
	_ =	sdelay $0x1  }
0x8d: {  	[tilespmem:s1+$0xFFFFFD00] =	vst.add.f32.msk $0xffff, v4  }
0x8e: {  	v4 =	vld.idx.msk [tilespmem:v5+s2+$0x0], $0xffff;
	_ =	sdelay $0x3  }
0x8f: {  	v5 =	vadd.s32 s20, v2;
	_ =	sdelay $0x1  }
0x90: {  	v4 =	vmul.f32 v4, v3;
	_ =	sdelay $0x1  }
0x91: {  	[tilespmem:s1+$0xFFFFFE00] =	vst.add.f32.msk $0xffff, v4  }
0x92: {  	v4 =	vld.idx.msk [tilespmem:v5+s2+$0x0], $0xffff;
	_ =	sdelay $0x3  }
0x93: {  	v5 =	vadd.s32 s19, v2;
	_ =	sdelay $0x1  }
0x94: {  	v4 =	vmul.f32 v4, v3;
	_ =	sdelay $0x1  }
0x95: {  	[tilespmem:s1+$0xFFFFFF00] =	vst.add.f32.msk $0xffff, v4  }
0x96: {  	v4 =	vld.idx.msk [tilespmem:v5+s2+$0x0], $0xffff;
	_ =	sdelay $0x1  }
.Ltmp2:
0x97: {  	(pc) =	sbr.rel @p0 .LBB2_8-.Ltmp2, $2  }
0x98: {  	_ =	sdelay $0x2  }
0x99: {  	v4 =	vmul.f32 v4, v3  }
0x9a: {  	s14 =	sadd.s32 $0x1, s14  }
0x9b: {  	p0 =	sne.s32 s14, $0x24  }
.Ltmp3:
0x9c: {  	_ = 	snop;
	(pc) =	sbr.rel @p0 .LBB2_7-.Ltmp3, $2  }
0x9d: {  	_ =	sdelay $0x2  }
0x9e: {  	[tilespmem:s1+$0x0] =	vst.add.f32.msk $0xffff, v4  }
0x9f: {  	s0 =	sadd.s32 $0x1, s0  }
0xa0: {  	p0 =	sne.s32 s0, $0x10  }
.Ltmp4:
0xa1: {  	_ = 	snop;
	(pc) =	sbr.rel @p0 .LBB2_6-.Ltmp4, $2  }
0xa2: {  	_ =	sdelay $0x2  }
0xa3: {  	s15 =	sadd.s32 $0x10, s15  }
0xa4: {  	s0 =	sor.u32 s12, s31;
	s30 =	sadd.s32 $0x1, s30  }
0xa5: {  	s0 =	sshrl.u32 s0, $0x3;
	p0 =	sne.s32 s30, $0x10  }
.Ltmp5:
0xa6: {  	s0 =	sadd.s32 s11, s0;
	(pc) =	sbr.rel @p0 .LBB2_3-.Ltmp5, $4  }
0xa7: {  	[hbm4b:s0+s17] =	stream.strided.scatter [tilespmem:s28], [sflag:$0x1], $0x1800, s18, s17, $0x38;
	[tilespmem:$0x1E000] =	vst v63  }
0xa8: {  	_ =	swait.ge [sflag:s16], $0x1800  }
0xa9: {  	[sflag:s16] =	ssyncset.done $0x0  }
0xaa: {  	[sflag:s16] =	ssyncadd.s32 $0xFFFFE800  }
0xab: {  	s1 =	rddreg [dreg:$0x4]  }
0xac: {  	s0 =	rddreg [dreg:$0x3];
	s1 =	sadd.s32 $0x1, s1  }
0xad: {  	p0 =	sne.s32 s1, s0  }
.Ltmp6:
0xae: {  	_ = 	snop;
	(pc) =	sbr.rel @p0 .LBB2_2-.Ltmp6, $1  }
0xaf: {  	_ =	sdelay $0x3  }
.LBB2_13:
0xb0: {  	_ =	sfence.sel $0x180000  }
0xb1: {  	[bflag:$0x0] =	sbarrier.arrive $0xFFFF  }
0xb2: {  	_ =	strace $0x90000047  }
0xb3: {  	s0 =	stileid.u32;
	[bflag:$0x2] =	sbarrier.arrive $0xFFFF  }
0xb4: {  	p0 =	sne.s32 s0, $0x0;
	s0 =	rddreg [dreg:$0x1]  }
0xb5: {  	s0 =	sadd.s32 @!p0 $0x100000, s0  }
0xb6: {  	[sflag:s0] =	ssyncadd.tile.s32 @!p0 $0x1;
	_ =	shalt  }
.Lfunc_end2:
_tile_overlayer_lowered:
.L_overlay_start_2:
0xb7: {  	(tag) =	ssettag $0x2  }
0xb8: {  	s0 =	rddreg [dreg:$0x0];
	s2 =	stileid.u32  }
0xb9: {  	s1 =	rddreg [dreg:$0x1];
	p0 =	sne.s32 s2, $0x0  }
0xba: {  	s3 =	rddreg [dreg:$0x2];
	[bflag:$0x3] =	sbarrier.arrive $0xFFFF;
	s2 =	simm.s32 @!p0 $0x1C01  }
0xbb: {  	[timem:s3], [sflag:s2] =	dma.local @!p0 [hbm:s0], s1  }
0xbc: {  	s0 =	simm.s32 @!p0 $0x1  }
0xbd: {  	_ =	swait.ge @!p0 [sflag:s0], s1  }
0xbe: {  	s1 =	ssub.s32 @!p0 $0x0, s1;
	[sflag:s0] =	ssyncset.done @!p0 $0x0  }
0xbf: {  	[sflag:s0] =	ssyncadd.s32 @!p0 s1  }
0xc0: {  	[bflag:$0x3] =	sbarrier.arrive $0xFFFF  }
0xc1: {  	_ =	shalt  }

</sc_bundles>
